<compile_context>
chip_gen: v7x
topology: tpu7x:2x2x1
jax: 0.10.2.dev20260603
libtpu: 0.0.44.dev20260713+nightly
codegen_flags: <defaults>
</compile_context>

<pallas_src>
import functools

import jax
import jax.numpy as jnp
from jax import lax
from jax.experimental import pallas as pl
from jax.experimental.pallas import tpu as pltpu
from jax.experimental.pallas import tpu_sc as plsc

_F32 = jnp.float32
_BF16 = jnp.bfloat16

_NC, _NS, _L = 2, 16, 16
_NW = _NC * _NS

_N_ED = 200
_OFF_VA = 200
_NROWS = 800


def _gelu(x):
    return 0.5 * x * (1.0 + jax.lax.erf(x * 0.7071067811865476))


def _tables_kernel(dims, era_ref, dec_ref, vis_ref, aud_ref, Wf1_ref,
                   big_ref):
    (d_era, d_dec, d_year, d_vis, n_era, n_dec, n_vis, n_aud) = dims
    c_dec = d_era
    c_year = c_dec + d_dec
    c_vis = c_year + d_year
    c_aud = c_vis + d_vis

    era_ct = jnp.dot(era_ref[...], Wf1_ref[0:c_dec, :],
                     preferred_element_type=_F32)
    dec_ct = jnp.dot(dec_ref[...], Wf1_ref[c_dec:c_year, :],
                     preferred_element_type=_F32)
    vis_ct = jnp.dot(vis_ref[...], Wf1_ref[c_vis:c_aud, :],
                     preferred_element_type=_F32)
    aud_ct = jnp.dot(aud_ref[...], Wf1_ref[c_aud:, :],
                     preferred_element_type=_F32)

    rE = lax.broadcasted_iota(jnp.int32, (_N_ED, n_era), 0)
    cE = lax.broadcasted_iota(jnp.int32, (_N_ED, n_era), 1)
    rD = lax.broadcasted_iota(jnp.int32, (_N_ED, n_dec), 0)
    cD = lax.broadcasted_iota(jnp.int32, (_N_ED, n_dec), 1)
    big_ref[0:_N_ED, :] = (
        jnp.dot((rE // n_dec == cE).astype(_F32), era_ct,
                preferred_element_type=_F32)
        + jnp.dot((rD % n_dec == cD).astype(_F32), dec_ct,
                  preferred_element_type=_F32))

    n_va = n_vis * n_aud
    rV = lax.broadcasted_iota(jnp.int32, (n_va, n_vis), 0)
    cV = lax.broadcasted_iota(jnp.int32, (n_va, n_vis), 1)
    rA = lax.broadcasted_iota(jnp.int32, (n_va, n_aud), 0)
    cA = lax.broadcasted_iota(jnp.int32, (n_va, n_aud), 1)
    big_ref[_OFF_VA:_OFF_VA + n_va, :] = (
        jnp.dot((rV // n_aud == cV).astype(_F32), vis_ct,
                preferred_element_type=_F32)
        + jnp.dot((rA % n_aud == cA).astype(_F32), aud_ct,
                  preferred_element_type=_F32))


def _sc_gather_kernel(bpw, C, H, tab, e, d, v, a, out,
                      e_v, d_v, v_v, a_v, i1, i2, b0, b1, s0, s1):
    wid = lax.axis_index("s") * _NC + lax.axis_index("c")
    base = wid * bpw
    pltpu.sync_copy(e.at[pl.ds(base, bpw)], e_v)
    pltpu.sync_copy(d.at[pl.ds(base, bpw)], d_v)
    pltpu.sync_copy(v.at[pl.ds(base, bpw)], v_v)
    pltpu.sync_copy(a.at[pl.ds(base, bpw)], a_v)

    def chunk(c2, _):
        r0 = c2 * C
        for s2 in range(C // _L):
            src = pl.ds(r0 + s2 * _L, _L)
            dst = pl.ds(s2 * _L, _L)
            i1[dst] = e_v[src] * 13 + d_v[src]
            i2[dst] = v_v[src] * 20 + a_v[src] + _OFF_VA
        cp0 = pltpu.async_copy(tab.at[i1], b0, s0)
        cp1 = pltpu.async_copy(tab.at[i2], b1, s1)
        cp0.wait()
        cp1.wait()

        def rowbody(r, _):
            for s in range(H // _L):
                sl = pl.ds(s * _L, _L)
                plsc.addupdate(b0.at[r, sl], b1[r, sl])
            return 0

        lax.fori_loop(0, C, rowbody, 0)
        pltpu.sync_copy(b0, out.at[pl.ds(base + r0, C)])
        return 0

    lax.fori_loop(0, bpw // C, chunk, 0)


def _finish_kernel(c_year, d_year, bblk,
                   hp_ref, yr_ref, Wf1_ref, Wy1_ref, by1_ref, Wy2_ref,
                   by2_ref, bf1_ref, Wf2_ref, bf2_ref, out_ref,
                   wy_s, bf_s, wf2_s):
    @pl.when(pl.program_id(0) == 0)
    def _precompute():
        w_year = Wf1_ref[c_year:c_year + d_year, :]
        wy_s[...] = jnp.dot(Wy2_ref[...], w_year, preferred_element_type=_F32)
        bf_s[...] = bf1_ref[...] + jnp.dot(by2_ref[...], w_year,
                                           preferred_element_type=_F32)
        wf2_s[...] = Wf2_ref[...].astype(_BF16)

    yn = (yr_ref[...].astype(_F32) - 1920.0) / 110.0
    y1 = _gelu(yn * Wy1_ref[...] + by1_ref[...])
    acc = hp_ref[...] + jnp.dot(y1, wy_s[...], preferred_element_type=_F32)
    acc = acc + bf_s[...]
    h = _gelu(acc)
    out_ref[...] = jnp.dot(h.astype(_BF16), wf2_s[...],
                           preferred_element_type=_F32) + bf2_ref[...]


def kernel(era_ids, decade_ids, years, visual_styles, audio_styles,
           era_table, decade_table, visual_table, audio_table,
           W_y1, b_y1, W_y2, b_y2, W_f1, b_f1, W_f2, b_f2):
    B = era_ids.shape[0]
    n_era, d_era = era_table.shape
    n_dec, d_dec = decade_table.shape
    n_vis, d_vis = visual_table.shape
    n_aud, d_aud = audio_table.shape
    d_year = W_y1.shape[1]
    d_in = d_era + d_dec + d_year + d_vis + d_aud
    c_year = d_era + d_dec
    H = W_f2.shape[1]
    dims = (d_era, d_dec, d_year, d_vis, n_era, n_dec, n_vis, n_aud)

    full = lambda shape: pl.BlockSpec(shape, lambda *_: tuple(0 for _ in shape))
    big = pl.pallas_call(
        functools.partial(_tables_kernel, dims),
        in_specs=[full(era_table.shape), full(decade_table.shape),
                  full(visual_table.shape), full(audio_table.shape),
                  full((d_in, H))],
        out_specs=full((_NROWS, H)),
        out_shape=jax.ShapeDtypeStruct((_NROWS, H), _F32),
    )(era_table, decade_table, visual_table, audio_table, W_f1)

    bpw = B // _NW
    C = 64
    mesh = plsc.VectorSubcoreMesh(core_axis_name="c", subcore_axis_name="s")
    h_pre = pl.kernel(
        functools.partial(_sc_gather_kernel, bpw, C, H),
        out_type=jax.ShapeDtypeStruct((B, H), _F32),
        mesh=mesh,
        scratch_types=[
            pltpu.VMEM((bpw,), jnp.int32), pltpu.VMEM((bpw,), jnp.int32),
            pltpu.VMEM((bpw,), jnp.int32), pltpu.VMEM((bpw,), jnp.int32),
            pltpu.VMEM((C,), jnp.int32), pltpu.VMEM((C,), jnp.int32),
            pltpu.VMEM((C, H), _F32), pltpu.VMEM((C, H), _F32),
            pltpu.SemaphoreType.DMA, pltpu.SemaphoreType.DMA,
        ],
    )(big, era_ids.astype(jnp.int32), decade_ids.astype(jnp.int32),
      visual_styles.astype(jnp.int32), audio_styles.astype(jnp.int32))

    bblk = 2048
    out = pl.pallas_call(
        functools.partial(_finish_kernel, c_year, d_year, bblk),
        grid=(B // bblk,),
        in_specs=[pl.BlockSpec((bblk, H), lambda i: (i, 0)),
                  pl.BlockSpec((bblk, 1), lambda i: (i, 0)),
                  full((d_in, H)), full((1, d_year)), full((1, d_year)),
                  full((d_year, d_year)), full((1, d_year)), full((1, H)),
                  full((H, H)), full((1, H))],
        out_specs=pl.BlockSpec((bblk, H), lambda i: (i, 0)),
        out_shape=jax.ShapeDtypeStruct((B, H), _F32),
        scratch_shapes=[
            pltpu.VMEM((d_year, H), _F32),
            pltpu.VMEM((1, H), _F32),
            pltpu.VMEM((H, H), _BF16),
        ],
    )(h_pre, years.astype(jnp.int32).reshape(B, 1), W_f1, W_y1,
      b_y1.reshape(1, d_year), W_y2, b_y2.reshape(1, d_year),
      b_f1.reshape(1, H), W_f2, b_f2.reshape(1, H))
    return out

# --- scband reference (transcript-rebuilt; emitter-appended) ---
"""Pipeline reference for scband-era-encoder-91164975825286 (READ-ONLY COPY).

The authoritative reference and input builder live on the scoring server;
editing this copy changes nothing except your own understanding.
"""

import jax, jax.numpy as jnp
import numpy as np

B = 16384
E = 256
H = 512

def setup_inputs(seed: int = 0) -> dict:
    key = jax.random.key(seed)
    ks = jax.random.split(key, 20)
    era_ids = jax.random.randint(ks[0], (B,), 0, 15)
    decade_ids = jax.random.randint(ks[1], (B,), 0, 13)
    years = jax.random.randint(ks[2], (B,), 0, 2023)
    visual_styles = jax.random.randint(ks[3], (B,), 0, 30)
    audio_styles = jax.random.randint(ks[4], (B,), 0, 20)
    era_table = jax.random.normal(ks[5], (15, E), dtype=jnp.float32)
    decade_table = jax.random.normal(ks[6], (13, E // 2), dtype=jnp.float32)
    visual_table = jax.random.normal(ks[7], (30, E // 4), dtype=jnp.float32)
    audio_table = jax.random.normal(ks[8], (20, E // 4), dtype=jnp.float32)
    W_y1 = jax.random.normal(ks[9], (1, E // 4), dtype=jnp.float32) * 0.02
    b_y1 = jnp.zeros((E // 4,), dtype=jnp.float32)
    W_y2 = jax.random.normal(ks[10], (E // 4, E // 4), dtype=jnp.float32) * 0.02
    b_y2 = jnp.zeros((E // 4,), dtype=jnp.float32)
    era_input_dim = E + E // 2 + (E // 4) * 3
    W_f1 = jax.random.normal(ks[11], (era_input_dim, H), dtype=jnp.float32) * 0.02
    b_f1 = jnp.zeros((H,), dtype=jnp.float32)
    W_f2 = jax.random.normal(ks[12], (H, H), dtype=jnp.float32) * 0.02
    b_f2 = jnp.zeros((H,), dtype=jnp.float32)
    return {"era_ids": era_ids, "decade_ids": decade_ids, "years": years,
            "visual_styles": visual_styles, "audio_styles": audio_styles,
            "era_table": era_table, "decade_table": decade_table,
            "visual_table": visual_table, "audio_table": audio_table,
            "W_y1": W_y1, "b_y1": b_y1, "W_y2": W_y2, "b_y2": b_y2,
            "W_f1": W_f1, "b_f1": b_f1, "W_f2": W_f2, "b_f2": b_f2}

def reference(era_ids, decade_ids, years, visual_styles, audio_styles,
              era_table, decade_table, visual_table, audio_table,
              W_y1, b_y1, W_y2, b_y2, W_f1, b_f1, W_f2, b_f2):
    era_emb = jnp.take(era_table, era_ids, axis=0)
    decade_emb = jnp.take(decade_table, decade_ids, axis=0)
    year_norm = (years.astype(jnp.float32) - 1920.0) / 110.0
    y = year_norm[:, None] @ W_y1 + b_y1
    y = jax.nn.gelu(y, approximate=False)
    year_emb = y @ W_y2 + b_y2
    visual_emb = jnp.take(visual_table, visual_styles, axis=0)
    audio_emb = jnp.take(audio_table, audio_styles, axis=0)
    combined = jnp.concatenate([era_emb, decade_emb, year_emb, visual_emb, audio_emb], axis=-1)
    h = jax.nn.gelu(combined @ W_f1 + b_f1, approximate=False)
    out = h @ W_f2 + b_f2
    return out

if __name__ == "__main__":
    import jax
    _d = setup_inputs()
    print(jax.jit(kernel)(*tuple(_d.values())))

</pallas_src>

<mosaic_0001>
#map = affine_map<(d0, d1) -> (0, 0)>
#map1 = affine_map<(d0, d1) -> (0)>
module attributes {stable_mosaic.version = 14 : i64} {
  func.func @_sc_gather_kernel(%arg0: i32, %arg1: i32, %arg2: memref<800x512xf32, #tpu.memory_space<hbm>>, %arg3: memref<16384xi32, #tpu.memory_space<hbm>>, %arg4: memref<16384xi32, #tpu.memory_space<hbm>>, %arg5: memref<16384xi32, #tpu.memory_space<hbm>>, %arg6: memref<16384xi32, #tpu.memory_space<hbm>>, %arg7: memref<16384x512xf32, #tpu.memory_space<hbm>>, %arg8: memref<512xi32, #tpu.memory_space<vmem>>, %arg9: memref<512xi32, #tpu.memory_space<vmem>>, %arg10: memref<512xi32, #tpu.memory_space<vmem>>, %arg11: memref<512xi32, #tpu.memory_space<vmem>>, %arg12: memref<64xi32, #tpu.memory_space<vmem>>, %arg13: memref<64xi32, #tpu.memory_space<vmem>>, %arg14: memref<64x512xf32, #tpu.memory_space<vmem>>, %arg15: memref<64x512xf32, #tpu.memory_space<vmem>>, %arg16: memref<!tpu.dma_semaphore, #tpu.memory_space<semaphore_mem>>, %arg17: memref<!tpu.dma_semaphore, #tpu.memory_space<semaphore_mem>>) attributes {dimension_semantics = [#tpu.dimension_semantics<core_parallel>, #tpu.dimension_semantics<subcore_parallel>], iteration_bounds = array<i64: 2, 16>, scalar_prefetch = 0 : i64, scratch_operands = 10 : i64, tpu.core_type = #tpu.core_type<sc_vector_subcore>, window_params = [{transform_indices = #map}, {transform_indices = #map1}, {transform_indices = #map1}, {transform_indices = #map1}, {transform_indices = #map1}, {transform_indices = #map}]} {
    %mul3A = arith.constant 2 : i32
    %mul3A_0 = arith.muli %arg1, %mul3A : i32
    %add3A = arith.addi %mul3A_0, %arg0 : i32
    %mul3A_1 = arith.constant 512 : i32
    %mul3A_2 = arith.muli %add3A, %mul3A_1 : i32
    "tpu.region"() ({
      %run_scoped3A = tpu.sem_alloc : memref<!tpu.dma_semaphore, #tpu.memory_space<semaphore_mem>>
      %dma_start3A = tpu.memref_slice %arg3[%mul3A_2] : memref<16384xi32, #tpu.memory_space<hbm>> -> memref<512xi32, #tpu.memory_space<hbm>>
      %dma_start3A_9 = tpu.memref_slice %arg3[%mul3A_2] : memref<16384xi32, #tpu.memory_space<hbm>> -> memref<512xi32, #tpu.memory_space<hbm>>
      tpu.enqueue_dma source(%dma_start3A_9 : memref<512xi32, #tpu.memory_space<hbm>>) target(%arg8 : memref<512xi32, #tpu.memory_space<vmem>>) target_semaphore(%run_scoped3A : memref<!tpu.dma_semaphore, #tpu.memory_space<semaphore_mem>>)
      %dma_wait3A = tpu.memref_slice %arg3[%mul3A_2] : memref<16384xi32, #tpu.memory_space<hbm>> -> memref<512xi32, #tpu.memory_space<hbm>>
      %dma_wait3A_10 = tpu.memref_slice %arg3[%mul3A_2] : memref<16384xi32, #tpu.memory_space<hbm>> -> memref<512xi32, #tpu.memory_space<hbm>>
      tpu.wait_dma2 semaphore(%run_scoped3A : memref<!tpu.dma_semaphore, #tpu.memory_space<semaphore_mem>>) src(%dma_wait3A_10 : memref<512xi32, #tpu.memory_space<hbm>>) dst(%arg8 : memref<512xi32, #tpu.memory_space<vmem>>)
      tpu.yield
    }) : () -> ()
    "tpu.region"() ({
      %run_scoped3A = tpu.sem_alloc : memref<!tpu.dma_semaphore, #tpu.memory_space<semaphore_mem>>
      %dma_start3A = tpu.memref_slice %arg4[%mul3A_2] : memref<16384xi32, #tpu.memory_space<hbm>> -> memref<512xi32, #tpu.memory_space<hbm>>
      %dma_start3A_9 = tpu.memref_slice %arg4[%mul3A_2] : memref<16384xi32, #tpu.memory_space<hbm>> -> memref<512xi32, #tpu.memory_space<hbm>>
      tpu.enqueue_dma source(%dma_start3A_9 : memref<512xi32, #tpu.memory_space<hbm>>) target(%arg9 : memref<512xi32, #tpu.memory_space<vmem>>) target_semaphore(%run_scoped3A : memref<!tpu.dma_semaphore, #tpu.memory_space<semaphore_mem>>)
      %dma_wait3A = tpu.memref_slice %arg4[%mul3A_2] : memref<16384xi32, #tpu.memory_space<hbm>> -> memref<512xi32, #tpu.memory_space<hbm>>
      %dma_wait3A_10 = tpu.memref_slice %arg4[%mul3A_2] : memref<16384xi32, #tpu.memory_space<hbm>> -> memref<512xi32, #tpu.memory_space<hbm>>
      tpu.wait_dma2 semaphore(%run_scoped3A : memref<!tpu.dma_semaphore, #tpu.memory_space<semaphore_mem>>) src(%dma_wait3A_10 : memref<512xi32, #tpu.memory_space<hbm>>) dst(%arg9 : memref<512xi32, #tpu.memory_space<vmem>>)
      tpu.yield
    }) : () -> ()
    "tpu.region"() ({
      %run_scoped3A = tpu.sem_alloc : memref<!tpu.dma_semaphore, #tpu.memory_space<semaphore_mem>>
      %dma_start3A = tpu.memref_slice %arg5[%mul3A_2] : memref<16384xi32, #tpu.memory_space<hbm>> -> memref<512xi32, #tpu.memory_space<hbm>>
      %dma_start3A_9 = tpu.memref_slice %arg5[%mul3A_2] : memref<16384xi32, #tpu.memory_space<hbm>> -> memref<512xi32, #tpu.memory_space<hbm>>
      tpu.enqueue_dma source(%dma_start3A_9 : memref<512xi32, #tpu.memory_space<hbm>>) target(%arg10 : memref<512xi32, #tpu.memory_space<vmem>>) target_semaphore(%run_scoped3A : memref<!tpu.dma_semaphore, #tpu.memory_space<semaphore_mem>>)
      %dma_wait3A = tpu.memref_slice %arg5[%mul3A_2] : memref<16384xi32, #tpu.memory_space<hbm>> -> memref<512xi32, #tpu.memory_space<hbm>>
      %dma_wait3A_10 = tpu.memref_slice %arg5[%mul3A_2] : memref<16384xi32, #tpu.memory_space<hbm>> -> memref<512xi32, #tpu.memory_space<hbm>>
      tpu.wait_dma2 semaphore(%run_scoped3A : memref<!tpu.dma_semaphore, #tpu.memory_space<semaphore_mem>>) src(%dma_wait3A_10 : memref<512xi32, #tpu.memory_space<hbm>>) dst(%arg10 : memref<512xi32, #tpu.memory_space<vmem>>)
      tpu.yield
    }) : () -> ()
    "tpu.region"() ({
      %run_scoped3A = tpu.sem_alloc : memref<!tpu.dma_semaphore, #tpu.memory_space<semaphore_mem>>
      %dma_start3A = tpu.memref_slice %arg6[%mul3A_2] : memref<16384xi32, #tpu.memory_space<hbm>> -> memref<512xi32, #tpu.memory_space<hbm>>
      %dma_start3A_9 = tpu.memref_slice %arg6[%mul3A_2] : memref<16384xi32, #tpu.memory_space<hbm>> -> memref<512xi32, #tpu.memory_space<hbm>>
      tpu.enqueue_dma source(%dma_start3A_9 : memref<512xi32, #tpu.memory_space<hbm>>) target(%arg11 : memref<512xi32, #tpu.memory_space<vmem>>) target_semaphore(%run_scoped3A : memref<!tpu.dma_semaphore, #tpu.memory_space<semaphore_mem>>)
      %dma_wait3A = tpu.memref_slice %arg6[%mul3A_2] : memref<16384xi32, #tpu.memory_space<hbm>> -> memref<512xi32, #tpu.memory_space<hbm>>
      %dma_wait3A_10 = tpu.memref_slice %arg6[%mul3A_2] : memref<16384xi32, #tpu.memory_space<hbm>> -> memref<512xi32, #tpu.memory_space<hbm>>
      tpu.wait_dma2 semaphore(%run_scoped3A : memref<!tpu.dma_semaphore, #tpu.memory_space<semaphore_mem>>) src(%dma_wait3A_10 : memref<512xi32, #tpu.memory_space<hbm>>) dst(%arg11 : memref<512xi32, #tpu.memory_space<vmem>>)
      tpu.yield
    }) : () -> ()
    %scan3A = arith.constant 0 : i32
    %scan3A_3 = arith.constant 0 : i32
    %scan3A_4 = arith.constant 8 : i32
    %scan3A_5 = arith.addi %scan3A_3, %scan3A_4 : i32
    %scan3A_6 = arith.constant 1 : i32
    %scan3A_7 = scf.for %scan3A_9 = %scan3A_3 to %scan3A_5 step %scan3A_6 iter_args(%scan3A_10 = %scan3A) -> (i32)  : i32 {
      %mul3A_11 = arith.constant 64 : i32
      %mul3A_12 = arith.muli %scan3A_9, %mul3A_11 : i32
      %add3A_13 = arith.constant 0 : i32
      %add3A_14 = arith.addi %mul3A_12, %add3A_13 : i32
      %get3A = arith.index_cast %add3A_14 : i32 to index
      %get3A_15 = tpu.vector_load %arg8[%get3A] {strides = array<i32>} : memref<512xi32, #tpu.memory_space<vmem>>, vector<16xi32>,
      %get3A_16 = vector.shape_cast %get3A_15 : vector<16xi32> to vector<16xi32>
      %mul3A_17 = arith.constant 13 : i32
      %mul3A_18 = vector.broadcast %mul3A_17 : i32 to vector<16xi32>
      %mul3A_19 = arith.muli %get3A_16, %mul3A_18 : vector<16xi32>
      %get3A_20 = arith.index_cast %add3A_14 : i32 to index
      %get3A_21 = tpu.vector_load %arg9[%get3A_20] {strides = array<i32>} : memref<512xi32, #tpu.memory_space<vmem>>, vector<16xi32>,
      %get3A_22 = vector.shape_cast %get3A_21 : vector<16xi32> to vector<16xi32>
      %add3A_23 = arith.addi %mul3A_19, %get3A_22 : vector<16xi32>
      %swap3A = arith.constant 0 : index
      %swap3A_24 = tpu.vector_load %arg12[%swap3A] {strides = array<i32>} : memref<64xi32, #tpu.memory_space<vmem>>, vector<16xi32>,
      %swap3A_25 = vector.shape_cast %swap3A_24 : vector<16xi32> to vector<16xi32>
      %swap3A_26 = vector.shape_cast %add3A_23 : vector<16xi32> to vector<16xi32>
      tpu.vector_store %arg12[%swap3A], %swap3A_26 {strides = array<i32>} : memref<64xi32, #tpu.memory_space<vmem>>, vector<16xi32>,
      %get3A_27 = arith.index_cast %add3A_14 : i32 to index
      %get3A_28 = tpu.vector_load %arg10[%get3A_27] {strides = array<i32>} : memref<512xi32, #tpu.memory_space<vmem>>, vector<16xi32>,
      %get3A_29 = vector.shape_cast %get3A_28 : vector<16xi32> to vector<16xi32>
      %mul3A_30 = arith.constant 20 : i32
      %mul3A_31 = vector.broadcast %mul3A_30 : i32 to vector<16xi32>
      %mul3A_32 = arith.muli %get3A_29, %mul3A_31 : vector<16xi32>
      %get3A_33 = arith.index_cast %add3A_14 : i32 to index
      %get3A_34 = tpu.vector_load %arg11[%get3A_33] {strides = array<i32>} : memref<512xi32, #tpu.memory_space<vmem>>, vector<16xi32>,
      %get3A_35 = vector.shape_cast %get3A_34 : vector<16xi32> to vector<16xi32>
      %add3A_36 = arith.addi %mul3A_32, %get3A_35 : vector<16xi32>
      %add3A_37 = arith.constant 200 : i32
      %add3A_38 = vector.broadcast %add3A_37 : i32 to vector<16xi32>
      %add3A_39 = arith.addi %add3A_36, %add3A_38 : vector<16xi32>
      %swap3A_40 = arith.constant 0 : index
      %swap3A_41 = tpu.vector_load %arg13[%swap3A_40] {strides = array<i32>} : memref<64xi32, #tpu.memory_space<vmem>>, vector<16xi32>,
      %swap3A_42 = vector.shape_cast %swap3A_41 : vector<16xi32> to vector<16xi32>
      %swap3A_43 = vector.shape_cast %add3A_39 : vector<16xi32> to vector<16xi32>
      tpu.vector_store %arg13[%swap3A_40], %swap3A_43 {strides = array<i32>} : memref<64xi32, #tpu.memory_space<vmem>>, vector<16xi32>,
      %add3A_44 = arith.constant 16 : i32
      %add3A_45 = arith.addi %mul3A_12, %add3A_44 : i32
      %get3A_46 = arith.index_cast %add3A_45 : i32 to index
      %get3A_47 = tpu.vector_load %arg8[%get3A_46] {strides = array<i32>} : memref<512xi32, #tpu.memory_space<vmem>>, vector<16xi32>,
      %get3A_48 = vector.shape_cast %get3A_47 : vector<16xi32> to vector<16xi32>
      %mul3A_49 = arith.constant 13 : i32
      %mul3A_50 = vector.broadcast %mul3A_49 : i32 to vector<16xi32>
      %mul3A_51 = arith.muli %get3A_48, %mul3A_50 : vector<16xi32>
      %get3A_52 = arith.index_cast %add3A_45 : i32 to index
      %get3A_53 = tpu.vector_load %arg9[%get3A_52] {strides = array<i32>} : memref<512xi32, #tpu.memory_space<vmem>>, vector<16xi32>,
      %get3A_54 = vector.shape_cast %get3A_53 : vector<16xi32> to vector<16xi32>
      %add3A_55 = arith.addi %mul3A_51, %get3A_54 : vector<16xi32>
      %swap3A_56 = arith.constant 16 : index
      %swap3A_57 = tpu.vector_load %arg12[%swap3A_56] {strides = array<i32>} : memref<64xi32, #tpu.memory_space<vmem>>, vector<16xi32>,
      %swap3A_58 = vector.shape_cast %swap3A_57 : vector<16xi32> to vector<16xi32>
      %swap3A_59 = vector.shape_cast %add3A_55 : vector<16xi32> to vector<16xi32>
      tpu.vector_store %arg12[%swap3A_56], %swap3A_59 {strides = array<i32>} : memref<64xi32, #tpu.memory_space<vmem>>, vector<16xi32>,
      %get3A_60 = arith.index_cast %add3A_45 : i32 to index
      %get3A_61 = tpu.vector_load %arg10[%get3A_60] {strides = array<i32>} : memref<512xi32, #tpu.memory_space<vmem>>, vector<16xi32>,
      %get3A_62 = vector.shape_cast %get3A_61 : vector<16xi32> to vector<16xi32>
      %mul3A_63 = arith.constant 20 : i32
      %mul3A_64 = vector.broadcast %mul3A_63 : i32 to vector<16xi32>
      %mul3A_65 = arith.muli %get3A_62, %mul3A_64 : vector<16xi32>
      %get3A_66 = arith.index_cast %add3A_45 : i32 to index
      %get3A_67 = tpu.vector_load %arg11[%get3A_66] {strides = array<i32>} : memref<512xi32, #tpu.memory_space<vmem>>, vector<16xi32>,
      %get3A_68 = vector.shape_cast %get3A_67 : vector<16xi32> to vector<16xi32>
      %add3A_69 = arith.addi %mul3A_65, %get3A_68 : vector<16xi32>
      %add3A_70 = arith.constant 200 : i32
      %add3A_71 = vector.broadcast %add3A_70 : i32 to vector<16xi32>
      %add3A_72 = arith.addi %add3A_69, %add3A_71 : vector<16xi32>
      %swap3A_73 = arith.constant 16 : index
      %swap3A_74 = tpu.vector_load %arg13[%swap3A_73] {strides = array<i32>} : memref<64xi32, #tpu.memory_space<vmem>>, vector<16xi32>,
      %swap3A_75 = vector.shape_cast %swap3A_74 : vector<16xi32> to vector<16xi32>
      %swap3A_76 = vector.shape_cast %add3A_72 : vector<16xi32> to vector<16xi32>
      tpu.vector_store %arg13[%swap3A_73], %swap3A_76 {strides = array<i32>} : memref<64xi32, #tpu.memory_space<vmem>>, vector<16xi32>,
      %add3A_77 = arith.constant 32 : i32
      %add3A_78 = arith.addi %mul3A_12, %add3A_77 : i32
      %get3A_79 = arith.index_cast %add3A_78 : i32 to index
      %get3A_80 = tpu.vector_load %arg8[%get3A_79] {strides = array<i32>} : memref<512xi32, #tpu.memory_space<vmem>>, vector<16xi32>,
      %get3A_81 = vector.shape_cast %get3A_80 : vector<16xi32> to vector<16xi32>
      %mul3A_82 = arith.constant 13 : i32
      %mul3A_83 = vector.broadcast %mul3A_82 : i32 to vector<16xi32>
      %mul3A_84 = arith.muli %get3A_81, %mul3A_83 : vector<16xi32>
      %get3A_85 = arith.index_cast %add3A_78 : i32 to index
      %get3A_86 = tpu.vector_load %arg9[%get3A_85] {strides = array<i32>} : memref<512xi32, #tpu.memory_space<vmem>>, vector<16xi32>,
      %get3A_87 = vector.shape_cast %get3A_86 : vector<16xi32> to vector<16xi32>
      %add3A_88 = arith.addi %mul3A_84, %get3A_87 : vector<16xi32>
      %swap3A_89 = arith.constant 32 : index
      %swap3A_90 = tpu.vector_load %arg12[%swap3A_89] {strides = array<i32>} : memref<64xi32, #tpu.memory_space<vmem>>, vector<16xi32>,
      %swap3A_91 = vector.shape_cast %swap3A_90 : vector<16xi32> to vector<16xi32>
      %swap3A_92 = vector.shape_cast %add3A_88 : vector<16xi32> to vector<16xi32>
      tpu.vector_store %arg12[%swap3A_89], %swap3A_92 {strides = array<i32>} : memref<64xi32, #tpu.memory_space<vmem>>, vector<16xi32>,
      %get3A_93 = arith.index_cast %add3A_78 : i32 to index
      %get3A_94 = tpu.vector_load %arg10[%get3A_93] {strides = array<i32>} : memref<512xi32, #tpu.memory_space<vmem>>, vector<16xi32>,
      %get3A_95 = vector.shape_cast %get3A_94 : vector<16xi32> to vector<16xi32>
      %mul3A_96 = arith.constant 20 : i32
      %mul3A_97 = vector.broadcast %mul3A_96 : i32 to vector<16xi32>
      %mul3A_98 = arith.muli %get3A_95, %mul3A_97 : vector<16xi32>
      %get3A_99 = arith.index_cast %add3A_78 : i32 to index
      %get3A_100 = tpu.vector_load %arg11[%get3A_99] {strides = array<i32>} : memref<512xi32, #tpu.memory_space<vmem>>, vector<16xi32>,
      %get3A_101 = vector.shape_cast %get3A_100 : vector<16xi32> to vector<16xi32>
      %add3A_102 = arith.addi %mul3A_98, %get3A_101 : vector<16xi32>
      %add3A_103 = arith.constant 200 : i32
      %add3A_104 = vector.broadcast %add3A_103 : i32 to vector<16xi32>
      %add3A_105 = arith.addi %add3A_102, %add3A_104 : vector<16xi32>
      %swap3A_106 = arith.constant 32 : index
      %swap3A_107 = tpu.vector_load %arg13[%swap3A_106] {strides = array<i32>} : memref<64xi32, #tpu.memory_space<vmem>>, vector<16xi32>,
      %swap3A_108 = vector.shape_cast %swap3A_107 : vector<16xi32> to vector<16xi32>
      %swap3A_109 = vector.shape_cast %add3A_105 : vector<16xi32> to vector<16xi32>
      tpu.vector_store %arg13[%swap3A_106], %swap3A_109 {strides = array<i32>} : memref<64xi32, #tpu.memory_space<vmem>>, vector<16xi32>,
      %add3A_110 = arith.constant 48 : i32
      %add3A_111 = arith.addi %mul3A_12, %add3A_110 : i32
      %get3A_112 = arith.index_cast %add3A_111 : i32 to index
      %get3A_113 = tpu.vector_load %arg8[%get3A_112] {strides = array<i32>} : memref<512xi32, #tpu.memory_space<vmem>>, vector<16xi32>,
      %get3A_114 = vector.shape_cast %get3A_113 : vector<16xi32> to vector<16xi32>
      %mul3A_115 = arith.constant 13 : i32
      %mul3A_116 = vector.broadcast %mul3A_115 : i32 to vector<16xi32>
      %mul3A_117 = arith.muli %get3A_114, %mul3A_116 : vector<16xi32>
      %get3A_118 = arith.index_cast %add3A_111 : i32 to index
      %get3A_119 = tpu.vector_load %arg9[%get3A_118] {strides = array<i32>} : memref<512xi32, #tpu.memory_space<vmem>>, vector<16xi32>,
      %get3A_120 = vector.shape_cast %get3A_119 : vector<16xi32> to vector<16xi32>
      %add3A_121 = arith.addi %mul3A_117, %get3A_120 : vector<16xi32>
      %swap3A_122 = arith.constant 48 : index
      %swap3A_123 = tpu.vector_load %arg12[%swap3A_122] {strides = array<i32>} : memref<64xi32, #tpu.memory_space<vmem>>, vector<16xi32>,
      %swap3A_124 = vector.shape_cast %swap3A_123 : vector<16xi32> to vector<16xi32>
      %swap3A_125 = vector.shape_cast %add3A_121 : vector<16xi32> to vector<16xi32>
      tpu.vector_store %arg12[%swap3A_122], %swap3A_125 {strides = array<i32>} : memref<64xi32, #tpu.memory_space<vmem>>, vector<16xi32>,
      %get3A_126 = arith.index_cast %add3A_111 : i32 to index
      %get3A_127 = tpu.vector_load %arg10[%get3A_126] {strides = array<i32>} : memref<512xi32, #tpu.memory_space<vmem>>, vector<16xi32>,
      %get3A_128 = vector.shape_cast %get3A_127 : vector<16xi32> to vector<16xi32>
      %mul3A_129 = arith.constant 20 : i32
      %mul3A_130 = vector.broadcast %mul3A_129 : i32 to vector<16xi32>
      %mul3A_131 = arith.muli %get3A_128, %mul3A_130 : vector<16xi32>
      %get3A_132 = arith.index_cast %add3A_111 : i32 to index
      %get3A_133 = tpu.vector_load %arg11[%get3A_132] {strides = array<i32>} : memref<512xi32, #tpu.memory_space<vmem>>, vector<16xi32>,
      %get3A_134 = vector.shape_cast %get3A_133 : vector<16xi32> to vector<16xi32>
      %add3A_135 = arith.addi %mul3A_131, %get3A_134 : vector<16xi32>
      %add3A_136 = arith.constant 200 : i32
      %add3A_137 = vector.broadcast %add3A_136 : i32 to vector<16xi32>
      %add3A_138 = arith.addi %add3A_135, %add3A_137 : vector<16xi32>
      %swap3A_139 = arith.constant 48 : index
      %swap3A_140 = tpu.vector_load %arg13[%swap3A_139] {strides = array<i32>} : memref<64xi32, #tpu.memory_space<vmem>>, vector<16xi32>,
      %swap3A_141 = vector.shape_cast %swap3A_140 : vector<16xi32> to vector<16xi32>
      %swap3A_142 = vector.shape_cast %add3A_138 : vector<16xi32> to vector<16xi32>
      tpu.vector_store %arg13[%swap3A_139], %swap3A_142 {strides = array<i32>} : memref<64xi32, #tpu.memory_space<vmem>>, vector<16xi32>,
      %dma_start3A = arith.constant 0 : i32
      %dma_start3A_143 = arith.constant 0 : i32
      %dma_start3A_144 = tpu.memref_slice %arg2[%dma_start3A, %dma_start3A_143] : memref<800x512xf32, #tpu.memory_space<hbm>> -> memref<800x512xf32, #tpu.memory_space<hbm>>
      tpu.enqueue_indirect_dma source(%dma_start3A_144 : memref<800x512xf32, #tpu.memory_space<hbm>>) target(%arg14 : memref<64x512xf32, #tpu.memory_space<vmem>>) offsets(%arg12 : memref<64xi32, #tpu.memory_space<vmem>>) semaphore(%arg16 : memref<!tpu.dma_semaphore, #tpu.memory_space<semaphore_mem>>)
      %dma_start3A_145 = arith.constant 0 : i32
      %dma_start3A_146 = arith.constant 0 : i32
      %dma_start3A_147 = tpu.memref_slice %arg2[%dma_start3A_145, %dma_start3A_146] : memref<800x512xf32, #tpu.memory_space<hbm>> -> memref<800x512xf32, #tpu.memory_space<hbm>>
      tpu.enqueue_indirect_dma source(%dma_start3A_147 : memref<800x512xf32, #tpu.memory_space<hbm>>) target(%arg15 : memref<64x512xf32, #tpu.memory_space<vmem>>) offsets(%arg13 : memref<64xi32, #tpu.memory_space<vmem>>) semaphore(%arg17 : memref<!tpu.dma_semaphore, #tpu.memory_space<semaphore_mem>>)
      %dma_wait3A = arith.constant 0 : i32
      %dma_wait3A_148 = arith.constant 0 : i32
      %dma_wait3A_149 = tpu.memref_slice %arg2[%dma_wait3A, %dma_wait3A_148] : memref<800x512xf32, #tpu.memory_space<hbm>> -> memref<800x512xf32, #tpu.memory_space<hbm>>
      tpu.wait_indirect_dma semaphore(%arg16 : memref<!tpu.dma_semaphore, #tpu.memory_space<semaphore_mem>>) src(%dma_wait3A_149 : memref<800x512xf32, #tpu.memory_space<hbm>>) dst(%arg14 : memref<64x512xf32, #tpu.memory_space<vmem>>)
      %dma_wait3A_150 = arith.constant 0 : i32
      %dma_wait3A_151 = arith.constant 0 : i32
      %dma_wait3A_152 = tpu.memref_slice %arg2[%dma_wait3A_150, %dma_wait3A_151] : memref<800x512xf32, #tpu.memory_space<hbm>> -> memref<800x512xf32, #tpu.memory_space<hbm>>
      tpu.wait_indirect_dma semaphore(%arg17 : memref<!tpu.dma_semaphore, #tpu.memory_space<semaphore_mem>>) src(%dma_wait3A_152 : memref<800x512xf32, #tpu.memory_space<hbm>>) dst(%arg15 : memref<64x512xf32, #tpu.memory_space<vmem>>)
      %scan3A_153 = arith.constant 0 : i32
      %scan3A_154 = arith.constant 0 : i32
      %scan3A_155 = arith.constant 64 : i32
      %scan3A_156 = arith.addi %scan3A_154, %scan3A_155 : i32
      %scan3A_157 = arith.constant 1 : i32
      %scan3A_158 = scf.for %scan3A_162 = %scan3A_154 to %scan3A_156 step %scan3A_157 iter_args(%scan3A_163 = %scan3A_153) -> (i32)  : i32 {
        %get3A_164 = arith.index_cast %scan3A_162 : i32 to index
        %get3A_165 = arith.constant 0 : index
        %get3A_166 = tpu.vector_load %arg15[%get3A_164, %get3A_165] {strides = array<i32>} : memref<64x512xf32, #tpu.memory_space<vmem>>, vector<1x16xf32>,
        %get3A_167 = vector.shape_cast %get3A_166 : vector<1x16xf32> to vector<16xf32>
        %swap3A_168 = arith.index_cast %scan3A_162 : i32 to index
        %swap3A_169 = arith.constant 0 : index
        %swap3A_170 = tpu.vector_load %arg14[%swap3A_168, %swap3A_169] {strides = array<i32>} : memref<64x512xf32, #tpu.memory_space<vmem>>, vector<1x16xf32>,
        %swap3A_171 = vector.shape_cast %swap3A_170 : vector<1x16xf32> to vector<16xf32>
        %swap3A_172 = vector.shape_cast %get3A_167 : vector<16xf32> to vector<1x16xf32>
        tpu.vector_store %arg14[%swap3A_168, %swap3A_169], %swap3A_172 {add = true, strides = array<i32>} : memref<64x512xf32, #tpu.memory_space<vmem>>, vector<1x16xf32>,
        %get3A_173 = arith.index_cast %scan3A_162 : i32 to index
        %get3A_174 = arith.constant 16 : index
        %get3A_175 = tpu.vector_load %arg15[%get3A_173, %get3A_174] {strides = array<i32>} : memref<64x512xf32, #tpu.memory_space<vmem>>, vector<1x16xf32>,
        %get3A_176 = vector.shape_cast %get3A_175 : vector<1x16xf32> to vector<16xf32>
        %swap3A_177 = arith.index_cast %scan3A_162 : i32 to index
        %swap3A_178 = arith.constant 16 : index
        %swap3A_179 = tpu.vector_load %arg14[%swap3A_177, %swap3A_178] {strides = array<i32>} : memref<64x512xf32, #tpu.memory_space<vmem>>, vector<1x16xf32>,
        %swap3A_180 = vector.shape_cast %swap3A_179 : vector<1x16xf32> to vector<16xf32>
        %swap3A_181 = vector.shape_cast %get3A_176 : vector<16xf32> to vector<1x16xf32>
        tpu.vector_store %arg14[%swap3A_177, %swap3A_178], %swap3A_181 {add = true, strides = array<i32>} : memref<64x512xf32, #tpu.memory_space<vmem>>, vector<1x16xf32>,
        %get3A_182 = arith.index_cast %scan3A_162 : i32 to index
        %get3A_183 = arith.constant 32 : index
        %get3A_184 = tpu.vector_load %arg15[%get3A_182, %get3A_183] {strides = array<i32>} : memref<64x512xf32, #tpu.memory_space<vmem>>, vector<1x16xf32>,
        %get3A_185 = vector.shape_cast %get3A_184 : vector<1x16xf32> to vector<16xf32>
        %swap3A_186 = arith.index_cast %scan3A_162 : i32 to index
        %swap3A_187 = arith.constant 32 : index
        %swap3A_188 = tpu.vector_load %arg14[%swap3A_186, %swap3A_187] {strides = array<i32>} : memref<64x512xf32, #tpu.memory_space<vmem>>, vector<1x16xf32>,
        %swap3A_189 = vector.shape_cast %swap3A_188 : vector<1x16xf32> to vector<16xf32>
        %swap3A_190 = vector.shape_cast %get3A_185 : vector<16xf32> to vector<1x16xf32>
        tpu.vector_store %arg14[%swap3A_186, %swap3A_187], %swap3A_190 {add = true, strides = array<i32>} : memref<64x512xf32, #tpu.memory_space<vmem>>, vector<1x16xf32>,
        %get3A_191 = arith.index_cast %scan3A_162 : i32 to index
        %get3A_192 = arith.constant 48 : index
        %get3A_193 = tpu.vector_load %arg15[%get3A_191, %get3A_192] {strides = array<i32>} : memref<64x512xf32, #tpu.memory_space<vmem>>, vector<1x16xf32>,
        %get3A_194 = vector.shape_cast %get3A_193 : vector<1x16xf32> to vector<16xf32>
        %swap3A_195 = arith.index_cast %scan3A_162 : i32 to index
        %swap3A_196 = arith.constant 48 : index
        %swap3A_197 = tpu.vector_load %arg14[%swap3A_195, %swap3A_196] {strides = array<i32>} : memref<64x512xf32, #tpu.memory_space<vmem>>, vector<1x16xf32>,
        %swap3A_198 = vector.shape_cast %swap3A_197 : vector<1x16xf32> to vector<16xf32>
        %swap3A_199 = vector.shape_cast %get3A_194 : vector<16xf32> to vector<1x16xf32>
        tpu.vector_store %arg14[%swap3A_195, %swap3A_196], %swap3A_199 {add = true, strides = array<i32>} : memref<64x512xf32, #tpu.memory_space<vmem>>, vector<1x16xf32>,
        %get3A_200 = arith.index_cast %scan3A_162 : i32 to index
        %get3A_201 = arith.constant 64 : index
        %get3A_202 = tpu.vector_load %arg15[%get3A_200, %get3A_201] {strides = array<i32>} : memref<64x512xf32, #tpu.memory_space<vmem>>, vector<1x16xf32>,
        %get3A_203 = vector.shape_cast %get3A_202 : vector<1x16xf32> to vector<16xf32>
        %swap3A_204 = arith.index_cast %scan3A_162 : i32 to index
        %swap3A_205 = arith.constant 64 : index
        %swap3A_206 = tpu.vector_load %arg14[%swap3A_204, %swap3A_205] {strides = array<i32>} : memref<64x512xf32, #tpu.memory_space<vmem>>, vector<1x16xf32>,
        %swap3A_207 = vector.shape_cast %swap3A_206 : vector<1x16xf32> to vector<16xf32>
        %swap3A_208 = vector.shape_cast %get3A_203 : vector<16xf32> to vector<1x16xf32>
        tpu.vector_store %arg14[%swap3A_204, %swap3A_205], %swap3A_208 {add = true, strides = array<i32>} : memref<64x512xf32, #tpu.memory_space<vmem>>, vector<1x16xf32>,
        %get3A_209 = arith.index_cast %scan3A_162 : i32 to index
        %get3A_210 = arith.constant 80 : index
        %get3A_211 = tpu.vector_load %arg15[%get3A_209, %get3A_210] {strides = array<i32>} : memref<64x512xf32, #tpu.memory_space<vmem>>, vector<1x16xf32>,
        %get3A_212 = vector.shape_cast %get3A_211 : vector<1x16xf32> to vector<16xf32>
        %swap3A_213 = arith.index_cast %scan3A_162 : i32 to index
        %swap3A_214 = arith.constant 80 : index
        %swap3A_215 = tpu.vector_load %arg14[%swap3A_213, %swap3A_214] {strides = array<i32>} : memref<64x512xf32, #tpu.memory_space<vmem>>, vector<1x16xf32>,
        %swap3A_216 = vector.shape_cast %swap3A_215 : vector<1x16xf32> to vector<16xf32>
        %swap3A_217 = vector.shape_cast %get3A_212 : vector<16xf32> to vector<1x16xf32>
        tpu.vector_store %arg14[%swap3A_213, %swap3A_214], %swap3A_217 {add = true, strides = array<i32>} : memref<64x512xf32, #tpu.memory_space<vmem>>, vector<1x16xf32>,
        %get3A_218 = arith.index_cast %scan3A_162 : i32 to index
        %get3A_219 = arith.constant 96 : index
        %get3A_220 = tpu.vector_load %arg15[%get3A_218, %get3A_219] {strides = array<i32>} : memref<64x512xf32, #tpu.memory_space<vmem>>, vector<1x16xf32>,
        %get3A_221 = vector.shape_cast %get3A_220 : vector<1x16xf32> to vector<16xf32>
        %swap3A_222 = arith.index_cast %scan3A_162 : i32 to index
        %swap3A_223 = arith.constant 96 : index
        %swap3A_224 = tpu.vector_load %arg14[%swap3A_222, %swap3A_223] {strides = array<i32>} : memref<64x512xf32, #tpu.memory_space<vmem>>, vector<1x16xf32>,
        %swap3A_225 = vector.shape_cast %swap3A_224 : vector<1x16xf32> to vector<16xf32>
        %swap3A_226 = vector.shape_cast %get3A_221 : vector<16xf32> to vector<1x16xf32>
        tpu.vector_store %arg14[%swap3A_222, %swap3A_223], %swap3A_226 {add = true, strides = array<i32>} : memref<64x512xf32, #tpu.memory_space<vmem>>, vector<1x16xf32>,
        %get3A_227 = arith.index_cast %scan3A_162 : i32 to index
        %get3A_228 = arith.constant 112 : index
        %get3A_229 = tpu.vector_load %arg15[%get3A_227, %get3A_228] {strides = array<i32>} : memref<64x512xf32, #tpu.memory_space<vmem>>, vector<1x16xf32>,
        %get3A_230 = vector.shape_cast %get3A_229 : vector<1x16xf32> to vector<16xf32>
        %swap3A_231 = arith.index_cast %scan3A_162 : i32 to index
        %swap3A_232 = arith.constant 112 : index
        %swap3A_233 = tpu.vector_load %arg14[%swap3A_231, %swap3A_232] {strides = array<i32>} : memref<64x512xf32, #tpu.memory_space<vmem>>, vector<1x16xf32>,
        %swap3A_234 = vector.shape_cast %swap3A_233 : vector<1x16xf32> to vector<16xf32>
        %swap3A_235 = vector.shape_cast %get3A_230 : vector<16xf32> to vector<1x16xf32>
        tpu.vector_store %arg14[%swap3A_231, %swap3A_232], %swap3A_235 {add = true, strides = array<i32>} : memref<64x512xf32, #tpu.memory_space<vmem>>, vector<1x16xf32>,
        %get3A_236 = arith.index_cast %scan3A_162 : i32 to index
        %get3A_237 = arith.constant 128 : index
        %get3A_238 = tpu.vector_load %arg15[%get3A_236, %get3A_237] {strides = array<i32>} : memref<64x512xf32, #tpu.memory_space<vmem>>, vector<1x16xf32>,
        %get3A_239 = vector.shape_cast %get3A_238 : vector<1x16xf32> to vector<16xf32>
        %swap3A_240 = arith.index_cast %scan3A_162 : i32 to index
        %swap3A_241 = arith.constant 128 : index
        %swap3A_242 = tpu.vector_load %arg14[%swap3A_240, %swap3A_241] {strides = array<i32>} : memref<64x512xf32, #tpu.memory_space<vmem>>, vector<1x16xf32>,
        %swap3A_243 = vector.shape_cast %swap3A_242 : vector<1x16xf32> to vector<16xf32>
        %swap3A_244 = vector.shape_cast %get3A_239 : vector<16xf32> to vector<1x16xf32>
        tpu.vector_store %arg14[%swap3A_240, %swap3A_241], %swap3A_244 {add = true, strides = array<i32>} : memref<64x512xf32, #tpu.memory_space<vmem>>, vector<1x16xf32>,
        %get3A_245 = arith.index_cast %scan3A_162 : i32 to index
        %get3A_246 = arith.constant 144 : index
        %get3A_247 = tpu.vector_load %arg15[%get3A_245, %get3A_246] {strides = array<i32>} : memref<64x512xf32, #tpu.memory_space<vmem>>, vector<1x16xf32>,
        %get3A_248 = vector.shape_cast %get3A_247 : vector<1x16xf32> to vector<16xf32>
        %swap3A_249 = arith.index_cast %scan3A_162 : i32 to index
        %swap3A_250 = arith.constant 144 : index
        %swap3A_251 = tpu.vector_load %arg14[%swap3A_249, %swap3A_250] {strides = array<i32>} : memref<64x512xf32, #tpu.memory_space<vmem>>, vector<1x16xf32>,
        %swap3A_252 = vector.shape_cast %swap3A_251 : vector<1x16xf32> to vector<16xf32>
        %swap3A_253 = vector.shape_cast %get3A_248 : vector<16xf32> to vector<1x16xf32>
        tpu.vector_store %arg14[%swap3A_249, %swap3A_250], %swap3A_253 {add = true, strides = array<i32>} : memref<64x512xf32, #tpu.memory_space<vmem>>, vector<1x16xf32>,
        %get3A_254 = arith.index_cast %scan3A_162 : i32 to index
        %get3A_255 = arith.constant 160 : index
        %get3A_256 = tpu.vector_load %arg15[%get3A_254, %get3A_255] {strides = array<i32>} : memref<64x512xf32, #tpu.memory_space<vmem>>, vector<1x16xf32>,
        %get3A_257 = vector.shape_cast %get3A_256 : vector<1x16xf32> to vector<16xf32>
        %swap3A_258 = arith.index_cast %scan3A_162 : i32 to index
        %swap3A_259 = arith.constant 160 : index
        %swap3A_260 = tpu.vector_load %arg14[%swap3A_258, %swap3A_259] {strides = array<i32>} : memref<64x512xf32, #tpu.memory_space<vmem>>, vector<1x16xf32>,
        %swap3A_261 = vector.shape_cast %swap3A_260 : vector<1x16xf32> to vector<16xf32>
        %swap3A_262 = vector.shape_cast %get3A_257 : vector<16xf32> to vector<1x16xf32>
        tpu.vector_store %arg14[%swap3A_258, %swap3A_259], %swap3A_262 {add = true, strides = array<i32>} : memref<64x512xf32, #tpu.memory_space<vmem>>, vector<1x16xf32>,
        %get3A_263 = arith.index_cast %scan3A_162 : i32 to index
        %get3A_264 = arith.constant 176 : index
        %get3A_265 = tpu.vector_load %arg15[%get3A_263, %get3A_264] {strides = array<i32>} : memref<64x512xf32, #tpu.memory_space<vmem>>, vector<1x16xf32>,
        %get3A_266 = vector.shape_cast %get3A_265 : vector<1x16xf32> to vector<16xf32>
        %swap3A_267 = arith.index_cast %scan3A_162 : i32 to index
        %swap3A_268 = arith.constant 176 : index
        %swap3A_269 = tpu.vector_load %arg14[%swap3A_267, %swap3A_268] {strides = array<i32>} : memref<64x512xf32, #tpu.memory_space<vmem>>, vector<1x16xf32>,
        %swap3A_270 = vector.shape_cast %swap3A_269 : vector<1x16xf32> to vector<16xf32>
        %swap3A_271 = vector.shape_cast %get3A_266 : vector<16xf32> to vector<1x16xf32>
        tpu.vector_store %arg14[%swap3A_267, %swap3A_268], %swap3A_271 {add = true, strides = array<i32>} : memref<64x512xf32, #tpu.memory_space<vmem>>, vector<1x16xf32>,
        %get3A_272 = arith.index_cast %scan3A_162 : i32 to index
        %get3A_273 = arith.constant 192 : index
        %get3A_274 = tpu.vector_load %arg15[%get3A_272, %get3A_273] {strides = array<i32>} : memref<64x512xf32, #tpu.memory_space<vmem>>, vector<1x16xf32>,
        %get3A_275 = vector.shape_cast %get3A_274 : vector<1x16xf32> to vector<16xf32>
        %swap3A_276 = arith.index_cast %scan3A_162 : i32 to index
        %swap3A_277 = arith.constant 192 : index
        %swap3A_278 = tpu.vector_load %arg14[%swap3A_276, %swap3A_277] {strides = array<i32>} : memref<64x512xf32, #tpu.memory_space<vmem>>, vector<1x16xf32>,
        %swap3A_279 = vector.shape_cast %swap3A_278 : vector<1x16xf32> to vector<16xf32>
        %swap3A_280 = vector.shape_cast %get3A_275 : vector<16xf32> to vector<1x16xf32>
        tpu.vector_store %arg14[%swap3A_276, %swap3A_277], %swap3A_280 {add = true, strides = array<i32>} : memref<64x512xf32, #tpu.memory_space<vmem>>, vector<1x16xf32>,
        %get3A_281 = arith.index_cast %scan3A_162 : i32 to index
        %get3A_282 = arith.constant 208 : index
        %get3A_283 = tpu.vector_load %arg15[%get3A_281, %get3A_282] {strides = array<i32>} : memref<64x512xf32, #tpu.memory_space<vmem>>, vector<1x16xf32>,
        %get3A_284 = vector.shape_cast %get3A_283 : vector<1x16xf32> to vector<16xf32>
        %swap3A_285 = arith.index_cast %scan3A_162 : i32 to index
        %swap3A_286 = arith.constant 208 : index
        %swap3A_287 = tpu.vector_load %arg14[%swap3A_285, %swap3A_286] {strides = array<i32>} : memref<64x512xf32, #tpu.memory_space<vmem>>, vector<1x16xf32>,
        %swap3A_288 = vector.shape_cast %swap3A_287 : vector<1x16xf32> to vector<16xf32>
        %swap3A_289 = vector.shape_cast %get3A_284 : vector<16xf32> to vector<1x16xf32>
        tpu.vector_store %arg14[%swap3A_285, %swap3A_286], %swap3A_289 {add = true, strides = array<i32>} : memref<64x512xf32, #tpu.memory_space<vmem>>, vector<1x16xf32>,
        %get3A_290 = arith.index_cast %scan3A_162 : i32 to index
        %get3A_291 = arith.constant 224 : index
        %get3A_292 = tpu.vector_load %arg15[%get3A_290, %get3A_291] {strides = array<i32>} : memref<64x512xf32, #tpu.memory_space<vmem>>, vector<1x16xf32>,
        %get3A_293 = vector.shape_cast %get3A_292 : vector<1x16xf32> to vector<16xf32>
        %swap3A_294 = arith.index_cast %scan3A_162 : i32 to index
        %swap3A_295 = arith.constant 224 : index
        %swap3A_296 = tpu.vector_load %arg14[%swap3A_294, %swap3A_295] {strides = array<i32>} : memref<64x512xf32, #tpu.memory_space<vmem>>, vector<1x16xf32>,
        %swap3A_297 = vector.shape_cast %swap3A_296 : vector<1x16xf32> to vector<16xf32>
        %swap3A_298 = vector.shape_cast %get3A_293 : vector<16xf32> to vector<1x16xf32>
        tpu.vector_store %arg14[%swap3A_294, %swap3A_295], %swap3A_298 {add = true, strides = array<i32>} : memref<64x512xf32, #tpu.memory_space<vmem>>, vector<1x16xf32>,
        %get3A_299 = arith.index_cast %scan3A_162 : i32 to index
        %get3A_300 = arith.constant 240 : index
        %get3A_301 = tpu.vector_load %arg15[%get3A_299, %get3A_300] {strides = array<i32>} : memref<64x512xf32, #tpu.memory_space<vmem>>, vector<1x16xf32>,
        %get3A_302 = vector.shape_cast %get3A_301 : vector<1x16xf32> to vector<16xf32>
        %swap3A_303 = arith.index_cast %scan3A_162 : i32 to index
        %swap3A_304 = arith.constant 240 : index
        %swap3A_305 = tpu.vector_load %arg14[%swap3A_303, %swap3A_304] {strides = array<i32>} : memref<64x512xf32, #tpu.memory_space<vmem>>, vector<1x16xf32>,
        %swap3A_306 = vector.shape_cast %swap3A_305 : vector<1x16xf32> to vector<16xf32>
        %swap3A_307 = vector.shape_cast %get3A_302 : vector<16xf32> to vector<1x16xf32>
        tpu.vector_store %arg14[%swap3A_303, %swap3A_304], %swap3A_307 {add = true, strides = array<i32>} : memref<64x512xf32, #tpu.memory_space<vmem>>, vector<1x16xf32>,
        %get3A_308 = arith.index_cast %scan3A_162 : i32 to index
        %get3A_309 = arith.constant 256 : index
        %get3A_310 = tpu.vector_load %arg15[%get3A_308, %get3A_309] {strides = array<i32>} : memref<64x512xf32, #tpu.memory_space<vmem>>, vector<1x16xf32>,
        %get3A_311 = vector.shape_cast %get3A_310 : vector<1x16xf32> to vector<16xf32>
        %swap3A_312 = arith.index_cast %scan3A_162 : i32 to index
        %swap3A_313 = arith.constant 256 : index
        %swap3A_314 = tpu.vector_load %arg14[%swap3A_312, %swap3A_313] {strides = array<i32>} : memref<64x512xf32, #tpu.memory_space<vmem>>, vector<1x16xf32>,
        %swap3A_315 = vector.shape_cast %swap3A_314 : vector<1x16xf32> to vector<16xf32>
        %swap3A_316 = vector.shape_cast %get3A_311 : vector<16xf32> to vector<1x16xf32>
        tpu.vector_store %arg14[%swap3A_312, %swap3A_313], %swap3A_316 {add = true, strides = array<i32>} : memref<64x512xf32, #tpu.memory_space<vmem>>, vector<1x16xf32>,
        %get3A_317 = arith.index_cast %scan3A_162 : i32 to index
        %get3A_318 = arith.constant 272 : index
        %get3A_319 = tpu.vector_load %arg15[%get3A_317, %get3A_318] {strides = array<i32>} : memref<64x512xf32, #tpu.memory_space<vmem>>, vector<1x16xf32>,
        %get3A_320 = vector.shape_cast %get3A_319 : vector<1x16xf32> to vector<16xf32>
        %swap3A_321 = arith.index_cast %scan3A_162 : i32 to index
        %swap3A_322 = arith.constant 272 : index
        %swap3A_323 = tpu.vector_load %arg14[%swap3A_321, %swap3A_322] {strides = array<i32>} : memref<64x512xf32, #tpu.memory_space<vmem>>, vector<1x16xf32>,
        %swap3A_324 = vector.shape_cast %swap3A_323 : vector<1x16xf32> to vector<16xf32>
        %swap3A_325 = vector.shape_cast %get3A_320 : vector<16xf32> to vector<1x16xf32>
        tpu.vector_store %arg14[%swap3A_321, %swap3A_322], %swap3A_325 {add = true, strides = array<i32>} : memref<64x512xf32, #tpu.memory_space<vmem>>, vector<1x16xf32>,
        %get3A_326 = arith.index_cast %scan3A_162 : i32 to index
        %get3A_327 = arith.constant 288 : index
        %get3A_328 = tpu.vector_load %arg15[%get3A_326, %get3A_327] {strides = array<i32>} : memref<64x512xf32, #tpu.memory_space<vmem>>, vector<1x16xf32>,
        %get3A_329 = vector.shape_cast %get3A_328 : vector<1x16xf32> to vector<16xf32>
        %swap3A_330 = arith.index_cast %scan3A_162 : i32 to index
        %swap3A_331 = arith.constant 288 : index
        %swap3A_332 = tpu.vector_load %arg14[%swap3A_330, %swap3A_331] {strides = array<i32>} : memref<64x512xf32, #tpu.memory_space<vmem>>, vector<1x16xf32>,
        %swap3A_333 = vector.shape_cast %swap3A_332 : vector<1x16xf32> to vector<16xf32>
        %swap3A_334 = vector.shape_cast %get3A_329 : vector<16xf32> to vector<1x16xf32>
        tpu.vector_store %arg14[%swap3A_330, %swap3A_331], %swap3A_334 {add = true, strides = array<i32>} : memref<64x512xf32, #tpu.memory_space<vmem>>, vector<1x16xf32>,
        %get3A_335 = arith.index_cast %scan3A_162 : i32 to index
        %get3A_336 = arith.constant 304 : index
        %get3A_337 = tpu.vector_load %arg15[%get3A_335, %get3A_336] {strides = array<i32>} : memref<64x512xf32, #tpu.memory_space<vmem>>, vector<1x16xf32>,
        %get3A_338 = vector.shape_cast %get3A_337 : vector<1x16xf32> to vector<16xf32>
        %swap3A_339 = arith.index_cast %scan3A_162 : i32 to index
        %swap3A_340 = arith.constant 304 : index
        %swap3A_341 = tpu.vector_load %arg14[%swap3A_339, %swap3A_340] {strides = array<i32>} : memref<64x512xf32, #tpu.memory_space<vmem>>, vector<1x16xf32>,
        %swap3A_342 = vector.shape_cast %swap3A_341 : vector<1x16xf32> to vector<16xf32>
        %swap3A_343 = vector.shape_cast %get3A_338 : vector<16xf32> to vector<1x16xf32>
        tpu.vector_store %arg14[%swap3A_339, %swap3A_340], %swap3A_343 {add = true, strides = array<i32>} : memref<64x512xf32, #tpu.memory_space<vmem>>, vector<1x16xf32>,
        %get3A_344 = arith.index_cast %scan3A_162 : i32 to index
        %get3A_345 = arith.constant 320 : index
        %get3A_346 = tpu.vector_load %arg15[%get3A_344, %get3A_345] {strides = array<i32>} : memref<64x512xf32, #tpu.memory_space<vmem>>, vector<1x16xf32>,
        %get3A_347 = vector.shape_cast %get3A_346 : vector<1x16xf32> to vector<16xf32>
        %swap3A_348 = arith.index_cast %scan3A_162 : i32 to index
        %swap3A_349 = arith.constant 320 : index
        %swap3A_350 = tpu.vector_load %arg14[%swap3A_348, %swap3A_349] {strides = array<i32>} : memref<64x512xf32, #tpu.memory_space<vmem>>, vector<1x16xf32>,
        %swap3A_351 = vector.shape_cast %swap3A_350 : vector<1x16xf32> to vector<16xf32>
        %swap3A_352 = vector.shape_cast %get3A_347 : vector<16xf32> to vector<1x16xf32>
        tpu.vector_store %arg14[%swap3A_348, %swap3A_349], %swap3A_352 {add = true, strides = array<i32>} : memref<64x512xf32, #tpu.memory_space<vmem>>, vector<1x16xf32>,
        %get3A_353 = arith.index_cast %scan3A_162 : i32 to index
        %get3A_354 = arith.constant 336 : index
        %get3A_355 = tpu.vector_load %arg15[%get3A_353, %get3A_354] {strides = array<i32>} : memref<64x512xf32, #tpu.memory_space<vmem>>, vector<1x16xf32>,
        %get3A_356 = vector.shape_cast %get3A_355 : vector<1x16xf32> to vector<16xf32>
        %swap3A_357 = arith.index_cast %scan3A_162 : i32 to index
        %swap3A_358 = arith.constant 336 : index
        %swap3A_359 = tpu.vector_load %arg14[%swap3A_357, %swap3A_358] {strides = array<i32>} : memref<64x512xf32, #tpu.memory_space<vmem>>, vector<1x16xf32>,
        %swap3A_360 = vector.shape_cast %swap3A_359 : vector<1x16xf32> to vector<16xf32>
        %swap3A_361 = vector.shape_cast %get3A_356 : vector<16xf32> to vector<1x16xf32>
        tpu.vector_store %arg14[%swap3A_357, %swap3A_358], %swap3A_361 {add = true, strides = array<i32>} : memref<64x512xf32, #tpu.memory_space<vmem>>, vector<1x16xf32>,
        %get3A_362 = arith.index_cast %scan3A_162 : i32 to index
        %get3A_363 = arith.constant 352 : index
        %get3A_364 = tpu.vector_load %arg15[%get3A_362, %get3A_363] {strides = array<i32>} : memref<64x512xf32, #tpu.memory_space<vmem>>, vector<1x16xf32>,
        %get3A_365 = vector.shape_cast %get3A_364 : vector<1x16xf32> to vector<16xf32>
        %swap3A_366 = arith.index_cast %scan3A_162 : i32 to index
        %swap3A_367 = arith.constant 352 : index
        %swap3A_368 = tpu.vector_load %arg14[%swap3A_366, %swap3A_367] {strides = array<i32>} : memref<64x512xf32, #tpu.memory_space<vmem>>, vector<1x16xf32>,
        %swap3A_369 = vector.shape_cast %swap3A_368 : vector<1x16xf32> to vector<16xf32>
        %swap3A_370 = vector.shape_cast %get3A_365 : vector<16xf32> to vector<1x16xf32>
        tpu.vector_store %arg14[%swap3A_366, %swap3A_367], %swap3A_370 {add = true, strides = array<i32>} : memref<64x512xf32, #tpu.memory_space<vmem>>, vector<1x16xf32>,
        %get3A_371 = arith.index_cast %scan3A_162 : i32 to index
        %get3A_372 = arith.constant 368 : index
        %get3A_373 = tpu.vector_load %arg15[%get3A_371, %get3A_372] {strides = array<i32>} : memref<64x512xf32, #tpu.memory_space<vmem>>, vector<1x16xf32>,
        %get3A_374 = vector.shape_cast %get3A_373 : vector<1x16xf32> to vector<16xf32>
        %swap3A_375 = arith.index_cast %scan3A_162 : i32 to index
        %swap3A_376 = arith.constant 368 : index
        %swap3A_377 = tpu.vector_load %arg14[%swap3A_375, %swap3A_376] {strides = array<i32>} : memref<64x512xf32, #tpu.memory_space<vmem>>, vector<1x16xf32>,
        %swap3A_378 = vector.shape_cast %swap3A_377 : vector<1x16xf32> to vector<16xf32>
        %swap3A_379 = vector.shape_cast %get3A_374 : vector<16xf32> to vector<1x16xf32>
        tpu.vector_store %arg14[%swap3A_375, %swap3A_376], %swap3A_379 {add = true, strides = array<i32>} : memref<64x512xf32, #tpu.memory_space<vmem>>, vector<1x16xf32>,
        %get3A_380 = arith.index_cast %scan3A_162 : i32 to index
        %get3A_381 = arith.constant 384 : index
        %get3A_382 = tpu.vector_load %arg15[%get3A_380, %get3A_381] {strides = array<i32>} : memref<64x512xf32, #tpu.memory_space<vmem>>, vector<1x16xf32>,
        %get3A_383 = vector.shape_cast %get3A_382 : vector<1x16xf32> to vector<16xf32>
        %swap3A_384 = arith.index_cast %scan3A_162 : i32 to index
        %swap3A_385 = arith.constant 384 : index
        %swap3A_386 = tpu.vector_load %arg14[%swap3A_384, %swap3A_385] {strides = array<i32>} : memref<64x512xf32, #tpu.memory_space<vmem>>, vector<1x16xf32>,
        %swap3A_387 = vector.shape_cast %swap3A_386 : vector<1x16xf32> to vector<16xf32>
        %swap3A_388 = vector.shape_cast %get3A_383 : vector<16xf32> to vector<1x16xf32>
        tpu.vector_store %arg14[%swap3A_384, %swap3A_385], %swap3A_388 {add = true, strides = array<i32>} : memref<64x512xf32, #tpu.memory_space<vmem>>, vector<1x16xf32>,
        %get3A_389 = arith.index_cast %scan3A_162 : i32 to index
        %get3A_390 = arith.constant 400 : index
        %get3A_391 = tpu.vector_load %arg15[%get3A_389, %get3A_390] {strides = array<i32>} : memref<64x512xf32, #tpu.memory_space<vmem>>, vector<1x16xf32>,
        %get3A_392 = vector.shape_cast %get3A_391 : vector<1x16xf32> to vector<16xf32>
        %swap3A_393 = arith.index_cast %scan3A_162 : i32 to index
        %swap3A_394 = arith.constant 400 : index
        %swap3A_395 = tpu.vector_load %arg14[%swap3A_393, %swap3A_394] {strides = array<i32>} : memref<64x512xf32, #tpu.memory_space<vmem>>, vector<1x16xf32>,
        %swap3A_396 = vector.shape_cast %swap3A_395 : vector<1x16xf32> to vector<16xf32>
        %swap3A_397 = vector.shape_cast %get3A_392 : vector<16xf32> to vector<1x16xf32>
        tpu.vector_store %arg14[%swap3A_393, %swap3A_394], %swap3A_397 {add = true, strides = array<i32>} : memref<64x512xf32, #tpu.memory_space<vmem>>, vector<1x16xf32>,
        %get3A_398 = arith.index_cast %scan3A_162 : i32 to index
        %get3A_399 = arith.constant 416 : index
        %get3A_400 = tpu.vector_load %arg15[%get3A_398, %get3A_399] {strides = array<i32>} : memref<64x512xf32, #tpu.memory_space<vmem>>, vector<1x16xf32>,
        %get3A_401 = vector.shape_cast %get3A_400 : vector<1x16xf32> to vector<16xf32>
        %swap3A_402 = arith.index_cast %scan3A_162 : i32 to index
        %swap3A_403 = arith.constant 416 : index
        %swap3A_404 = tpu.vector_load %arg14[%swap3A_402, %swap3A_403] {strides = array<i32>} : memref<64x512xf32, #tpu.memory_space<vmem>>, vector<1x16xf32>,
        %swap3A_405 = vector.shape_cast %swap3A_404 : vector<1x16xf32> to vector<16xf32>
        %swap3A_406 = vector.shape_cast %get3A_401 : vector<16xf32> to vector<1x16xf32>
        tpu.vector_store %arg14[%swap3A_402, %swap3A_403], %swap3A_406 {add = true, strides = array<i32>} : memref<64x512xf32, #tpu.memory_space<vmem>>, vector<1x16xf32>,
        %get3A_407 = arith.index_cast %scan3A_162 : i32 to index
        %get3A_408 = arith.constant 432 : index
        %get3A_409 = tpu.vector_load %arg15[%get3A_407, %get3A_408] {strides = array<i32>} : memref<64x512xf32, #tpu.memory_space<vmem>>, vector<1x16xf32>,
        %get3A_410 = vector.shape_cast %get3A_409 : vector<1x16xf32> to vector<16xf32>
        %swap3A_411 = arith.index_cast %scan3A_162 : i32 to index
        %swap3A_412 = arith.constant 432 : index
        %swap3A_413 = tpu.vector_load %arg14[%swap3A_411, %swap3A_412] {strides = array<i32>} : memref<64x512xf32, #tpu.memory_space<vmem>>, vector<1x16xf32>,
        %swap3A_414 = vector.shape_cast %swap3A_413 : vector<1x16xf32> to vector<16xf32>
        %swap3A_415 = vector.shape_cast %get3A_410 : vector<16xf32> to vector<1x16xf32>
        tpu.vector_store %arg14[%swap3A_411, %swap3A_412], %swap3A_415 {add = true, strides = array<i32>} : memref<64x512xf32, #tpu.memory_space<vmem>>, vector<1x16xf32>,
        %get3A_416 = arith.index_cast %scan3A_162 : i32 to index
        %get3A_417 = arith.constant 448 : index
        %get3A_418 = tpu.vector_load %arg15[%get3A_416, %get3A_417] {strides = array<i32>} : memref<64x512xf32, #tpu.memory_space<vmem>>, vector<1x16xf32>,
        %get3A_419 = vector.shape_cast %get3A_418 : vector<1x16xf32> to vector<16xf32>
        %swap3A_420 = arith.index_cast %scan3A_162 : i32 to index
        %swap3A_421 = arith.constant 448 : index
        %swap3A_422 = tpu.vector_load %arg14[%swap3A_420, %swap3A_421] {strides = array<i32>} : memref<64x512xf32, #tpu.memory_space<vmem>>, vector<1x16xf32>,
        %swap3A_423 = vector.shape_cast %swap3A_422 : vector<1x16xf32> to vector<16xf32>
        %swap3A_424 = vector.shape_cast %get3A_419 : vector<16xf32> to vector<1x16xf32>
        tpu.vector_store %arg14[%swap3A_420, %swap3A_421], %swap3A_424 {add = true, strides = array<i32>} : memref<64x512xf32, #tpu.memory_space<vmem>>, vector<1x16xf32>,
        %get3A_425 = arith.index_cast %scan3A_162 : i32 to index
        %get3A_426 = arith.constant 464 : index
        %get3A_427 = tpu.vector_load %arg15[%get3A_425, %get3A_426] {strides = array<i32>} : memref<64x512xf32, #tpu.memory_space<vmem>>, vector<1x16xf32>,
        %get3A_428 = vector.shape_cast %get3A_427 : vector<1x16xf32> to vector<16xf32>
        %swap3A_429 = arith.index_cast %scan3A_162 : i32 to index
        %swap3A_430 = arith.constant 464 : index
        %swap3A_431 = tpu.vector_load %arg14[%swap3A_429, %swap3A_430] {strides = array<i32>} : memref<64x512xf32, #tpu.memory_space<vmem>>, vector<1x16xf32>,
        %swap3A_432 = vector.shape_cast %swap3A_431 : vector<1x16xf32> to vector<16xf32>
        %swap3A_433 = vector.shape_cast %get3A_428 : vector<16xf32> to vector<1x16xf32>
        tpu.vector_store %arg14[%swap3A_429, %swap3A_430], %swap3A_433 {add = true, strides = array<i32>} : memref<64x512xf32, #tpu.memory_space<vmem>>, vector<1x16xf32>,
        %get3A_434 = arith.index_cast %scan3A_162 : i32 to index
        %get3A_435 = arith.constant 480 : index
        %get3A_436 = tpu.vector_load %arg15[%get3A_434, %get3A_435] {strides = array<i32>} : memref<64x512xf32, #tpu.memory_space<vmem>>, vector<1x16xf32>,
        %get3A_437 = vector.shape_cast %get3A_436 : vector<1x16xf32> to vector<16xf32>
        %swap3A_438 = arith.index_cast %scan3A_162 : i32 to index
        %swap3A_439 = arith.constant 480 : index
        %swap3A_440 = tpu.vector_load %arg14[%swap3A_438, %swap3A_439] {strides = array<i32>} : memref<64x512xf32, #tpu.memory_space<vmem>>, vector<1x16xf32>,
        %swap3A_441 = vector.shape_cast %swap3A_440 : vector<1x16xf32> to vector<16xf32>
        %swap3A_442 = vector.shape_cast %get3A_437 : vector<16xf32> to vector<1x16xf32>
        tpu.vector_store %arg14[%swap3A_438, %swap3A_439], %swap3A_442 {add = true, strides = array<i32>} : memref<64x512xf32, #tpu.memory_space<vmem>>, vector<1x16xf32>,
        %get3A_443 = arith.index_cast %scan3A_162 : i32 to index
        %get3A_444 = arith.constant 496 : index
        %get3A_445 = tpu.vector_load %arg15[%get3A_443, %get3A_444] {strides = array<i32>} : memref<64x512xf32, #tpu.memory_space<vmem>>, vector<1x16xf32>,
        %get3A_446 = vector.shape_cast %get3A_445 : vector<1x16xf32> to vector<16xf32>
        %swap3A_447 = arith.index_cast %scan3A_162 : i32 to index
        %swap3A_448 = arith.constant 496 : index
        %swap3A_449 = tpu.vector_load %arg14[%swap3A_447, %swap3A_448] {strides = array<i32>} : memref<64x512xf32, #tpu.memory_space<vmem>>, vector<1x16xf32>,
        %swap3A_450 = vector.shape_cast %swap3A_449 : vector<1x16xf32> to vector<16xf32>
        %swap3A_451 = vector.shape_cast %get3A_446 : vector<16xf32> to vector<1x16xf32>
        tpu.vector_store %arg14[%swap3A_447, %swap3A_448], %swap3A_451 {add = true, strides = array<i32>} : memref<64x512xf32, #tpu.memory_space<vmem>>, vector<1x16xf32>,
        %scan3A_452 = arith.constant 0 : i32
        scf.yield %scan3A_452 : i32
      }
      %scan3A_159 = arith.constant 64 : i32
      %add3A_160 = arith.addi %mul3A_2, %mul3A_12 : i32
      "tpu.region"() ({
        %run_scoped3A = tpu.sem_alloc : memref<!tpu.dma_semaphore, #tpu.memory_space<semaphore_mem>>
        %dma_start3A_162 = arith.constant 0 : i32
        %dma_start3A_163 = tpu.memref_slice %arg7[%add3A_160, %dma_start3A_162] : memref<16384x512xf32, #tpu.memory_space<hbm>> -> memref<64x512xf32, #tpu.memory_space<hbm>>
        %dma_start3A_164 = arith.constant 0 : i32
        %dma_start3A_165 = tpu.memref_slice %arg7[%add3A_160, %dma_start3A_164] : memref<16384x512xf32, #tpu.memory_space<hbm>> -> memref<64x512xf32, #tpu.memory_space<hbm>>
        tpu.enqueue_dma source(%arg14 : memref<64x512xf32, #tpu.memory_space<vmem>>) target(%dma_start3A_165 : memref<64x512xf32, #tpu.memory_space<hbm>>) target_semaphore(%run_scoped3A : memref<!tpu.dma_semaphore, #tpu.memory_space<semaphore_mem>>)
        %dma_wait3A_166 = arith.constant 0 : i32
        %dma_wait3A_167 = tpu.memref_slice %arg7[%add3A_160, %dma_wait3A_166] : memref<16384x512xf32, #tpu.memory_space<hbm>> -> memref<64x512xf32, #tpu.memory_space<hbm>>
        %dma_wait3A_168 = arith.constant 0 : i32
        %dma_wait3A_169 = tpu.memref_slice %arg7[%add3A_160, %dma_wait3A_168] : memref<16384x512xf32, #tpu.memory_space<hbm>> -> memref<64x512xf32, #tpu.memory_space<hbm>>
        tpu.wait_dma2 semaphore(%run_scoped3A : memref<!tpu.dma_semaphore, #tpu.memory_space<semaphore_mem>>) src(%arg14 : memref<64x512xf32, #tpu.memory_space<vmem>>) dst(%dma_wait3A_169 : memref<64x512xf32, #tpu.memory_space<hbm>>)
        tpu.yield
      }) : () -> ()
      %scan3A_161 = arith.constant 0 : i32
      scf.yield %scan3A_161 : i32
    }
    %scan3A_8 = arith.constant 8 : i32
    return
  }
}

module attributes {stable_mosaic.version = 14 : i64} {
  func.func @_tables_kernel(%arg0: memref<15x256xf32, #tpu.memory_space<vmem>>, %arg1: memref<13x128xf32, #tpu.memory_space<vmem>>, %arg2: memref<30x64xf32, #tpu.memory_space<vmem>>, %arg3: memref<20x64xf32, #tpu.memory_space<vmem>>, %arg4: memref<576x512xf32, #tpu.memory_space<vmem>>, %arg5: memref<800x512xf32, #tpu.memory_space<vmem>>) attributes {dimension_semantics = [], scalar_prefetch = 0 : i64, scratch_operands = 0 : i64, tpu.core_type = #tpu.core_type<tc>} {
    %get3A = arith.constant 0 : index
    %get3A_0 = arith.constant 0 : index
    %get3A_1 = vector.load %arg0[%get3A, %get3A_0] : memref<15x256xf32, #tpu.memory_space<vmem>>, vector<15x256xf32>
    %get3A_2 = arith.constant 0 : index
    %get3A_3 = arith.constant 0 : index
    %get3A_4 = vector.load %arg4[%get3A_2, %get3A_3] : memref<576x512xf32, #tpu.memory_space<vmem>>, vector<256x512xf32>
    %dot_general3A = arith.constant dense<0.000000e+00> : vector<15x512xf32>
    %dot_general3A_5 = tpu.matmul %get3A_1, %get3A_4, %dot_general3A {dimension_numbers = #tpu.dot_dimension_numbers<[1], [0], [0], [1], [0, 0, 1, 1], [], []>, transpose_lhs_hint = false} : vector<15x256xf32>, vector<256x512xf32>, vector<15x512xf32> -> vector<15x512xf32>
    %get3A_6 = arith.constant 0 : index
    %get3A_7 = arith.constant 0 : index
    %get3A_8 = vector.load %arg1[%get3A_6, %get3A_7] : memref<13x128xf32, #tpu.memory_space<vmem>>, vector<13x128xf32>
    %get3A_9 = arith.constant 256 : index
    %get3A_10 = arith.constant 0 : index
    %get3A_11 = vector.load %arg4[%get3A_9, %get3A_10] : memref<576x512xf32, #tpu.memory_space<vmem>>, vector<128x512xf32>
    %dot_general3A_12 = arith.constant dense<0.000000e+00> : vector<13x512xf32>
    %dot_general3A_13 = tpu.matmul %get3A_8, %get3A_11, %dot_general3A_12 {dimension_numbers = #tpu.dot_dimension_numbers<[1], [0], [0], [1], [0, 0, 1, 1], [], []>, transpose_lhs_hint = false} : vector<13x128xf32>, vector<128x512xf32>, vector<13x512xf32> -> vector<13x512xf32>
    %get3A_14 = arith.constant 0 : index
    %get3A_15 = arith.constant 0 : index
    %get3A_16 = vector.load %arg2[%get3A_14, %get3A_15] : memref<30x64xf32, #tpu.memory_space<vmem>>, vector<30x64xf32>
    %get3A_17 = arith.constant 448 : index
    %get3A_18 = arith.constant 0 : index
    %get3A_19 = vector.load %arg4[%get3A_17, %get3A_18] : memref<576x512xf32, #tpu.memory_space<vmem>>, vector<64x512xf32>
    %dot_general3A_20 = arith.constant dense<0.000000e+00> : vector<30x512xf32>
    %dot_general3A_21 = tpu.matmul %get3A_16, %get3A_19, %dot_general3A_20 {dimension_numbers = #tpu.dot_dimension_numbers<[1], [0], [0], [1], [0, 0, 1, 1], [], []>, transpose_lhs_hint = false} : vector<30x64xf32>, vector<64x512xf32>, vector<30x512xf32> -> vector<30x512xf32>
    %get3A_22 = arith.constant 0 : index
    %get3A_23 = arith.constant 0 : index
    %get3A_24 = vector.load %arg3[%get3A_22, %get3A_23] : memref<20x64xf32, #tpu.memory_space<vmem>>, vector<20x64xf32>
    %get3A_25 = arith.constant 512 : index
    %get3A_26 = arith.constant 0 : index
    %get3A_27 = vector.load %arg4[%get3A_25, %get3A_26] : memref<576x512xf32, #tpu.memory_space<vmem>>, vector<64x512xf32>
    %dot_general3A_28 = arith.constant dense<0.000000e+00> : vector<20x512xf32>
    %dot_general3A_29 = tpu.matmul %get3A_24, %get3A_27, %dot_general3A_28 {dimension_numbers = #tpu.dot_dimension_numbers<[1], [0], [0], [1], [0, 0, 1, 1], [], []>, transpose_lhs_hint = false} : vector<20x64xf32>, vector<64x512xf32>, vector<20x512xf32> -> vector<20x512xf32>
    %iota3A = tpu.iota {dimensions = array<i32: 0>} : vector<200x15xi32>
    %iota3A_30 = tpu.iota {dimensions = array<i32: 1>} : vector<200x15xi32>
    %iota3A_31 = tpu.iota {dimensions = array<i32: 0>} : vector<200x13xi32>
    %iota3A_32 = tpu.iota {dimensions = array<i32: 1>} : vector<200x13xi32>
    %jit3A = arith.constant 13 : i32
    %div3A = vector.broadcast %jit3A : i32 to vector<200x15xi32>
    %div3A_33 = arith.divsi %iota3A, %div3A : vector<200x15xi32>
    %sign3A = arith.constant 0 : i32
    %sign3A_34 = vector.broadcast %sign3A : i32 to vector<200x15xi32>
    %sign3A_35 = arith.cmpi sgt, %iota3A, %sign3A_34 : vector<200x15xi32>
    %sign3A_36 = arith.extui %sign3A_35 : vector<200x15xi1> to vector<200x15xi32>
    %sign3A_37 = arith.constant 0 : i32
    %sign3A_38 = vector.broadcast %sign3A_37 : i32 to vector<200x15xi32>
    %sign3A_39 = arith.cmpi slt, %iota3A, %sign3A_38 : vector<200x15xi32>
    %sign3A_40 = arith.extui %sign3A_39 : vector<200x15xi1> to vector<200x15xi32>
    %sign3A_41 = arith.subi %sign3A_36, %sign3A_40 : vector<200x15xi32>
    %sign3A_42 = arith.constant 0 : i32
    %sign3A_43 = arith.cmpi sgt, %jit3A, %sign3A_42 : i32
    %sign3A_44 = arith.extui %sign3A_43 : i1 to i32
    %sign3A_45 = arith.constant 0 : i32
    %sign3A_46 = arith.cmpi slt, %jit3A, %sign3A_45 : i32
    %sign3A_47 = arith.extui %sign3A_46 : i1 to i32
    %sign3A_48 = arith.subi %sign3A_44, %sign3A_47 : i32
    %ne3A = vector.broadcast %sign3A_48 : i32 to vector<200x15xi32>
    %ne3A_49 = arith.cmpi ne, %sign3A_41, %ne3A : vector<200x15xi32>
    %rem3A = vector.broadcast %jit3A : i32 to vector<200x15xi32>
    %rem3A_50 = arith.remsi %iota3A, %rem3A : vector<200x15xi32>
    %ne3A_51 = arith.constant 0 : i32
    %ne3A_52 = vector.broadcast %ne3A_51 : i32 to vector<200x15xi32>
    %ne3A_53 = arith.cmpi ne, %rem3A_50, %ne3A_52 : vector<200x15xi32>
    %and3A = arith.andi %ne3A_49, %ne3A_53 : vector<200x15xi1>
    %sub3A = arith.constant 1 : i32
    %sub3A_54 = vector.broadcast %sub3A : i32 to vector<200x15xi32>
    %sub3A_55 = arith.subi %div3A_33, %sub3A_54 : vector<200x15xi32>
    %select_n3A = arith.select %and3A, %sub3A_55, %div3A_33 : vector<200x15xi1>, vector<200x15xi32>
    %eq3A = arith.cmpi eq, %select_n3A, %iota3A_30 : vector<200x15xi32>
    %convert_element_type3A = arith.extui %eq3A : vector<200x15xi1> to vector<200x15xi32>
    %convert_element_type3A_56 = arith.sitofp %convert_element_type3A : vector<200x15xi32> to vector<200x15xf32>
    %dot_general3A_57 = arith.constant dense<0.000000e+00> : vector<200x512xf32>
    %dot_general3A_58 = tpu.matmul %convert_element_type3A_56, %dot_general3A_5, %dot_general3A_57 {dimension_numbers = #tpu.dot_dimension_numbers<[1], [0], [0], [1], [0, 0, 1, 1], [], []>, transpose_lhs_hint = false} : vector<200x15xf32>, vector<15x512xf32>, vector<200x512xf32> -> vector<200x512xf32>
    %jit3A_59 = arith.constant 13 : i32
    %eq3A_60 = arith.constant 0 : i32
    %eq3A_61 = arith.cmpi eq, %jit3A_59, %eq3A_60 : i32
    %jit3A_62 = arith.constant 1 : i32
    %select_n3A_63 = arith.select %eq3A_61, %jit3A_62, %jit3A_59 : i32
    %rem3A_64 = vector.broadcast %select_n3A_63 : i32 to vector<200x13xi32>
    %rem3A_65 = arith.remsi %iota3A_31, %rem3A_64 : vector<200x13xi32>
    %ne3A_66 = arith.constant 0 : i32
    %ne3A_67 = vector.broadcast %ne3A_66 : i32 to vector<200x13xi32>
    %ne3A_68 = arith.cmpi ne, %rem3A_65, %ne3A_67 : vector<200x13xi32>
    %lt3A = arith.constant 0 : i32
    %lt3A_69 = vector.broadcast %lt3A : i32 to vector<200x13xi32>
    %lt3A_70 = arith.cmpi slt, %rem3A_65, %lt3A_69 : vector<200x13xi32>
    %lt3A_71 = arith.constant 0 : i32
    %lt3A_72 = arith.cmpi slt, %select_n3A_63, %lt3A_71 : i32
    %ne3A_73 = vector.broadcast %lt3A_72 : i1 to vector<200x13xi1>
    %ne3A_74 = vector.broadcast %ne3A_73 : vector<200x13xi1> to vector<200x13xi1>
    %ne3A_75 = arith.xori %lt3A_70, %ne3A_74 : vector<200x13xi1>
    %and3A_76 = arith.andi %ne3A_75, %ne3A_68 : vector<200x13xi1>
    %add3A = vector.broadcast %select_n3A_63 : i32 to vector<200x13xi32>
    %add3A_77 = arith.addi %rem3A_65, %add3A : vector<200x13xi32>
    %select_n3A_78 = arith.select %and3A_76, %add3A_77, %rem3A_65 : vector<200x13xi1>, vector<200x13xi32>
    %eq3A_79 = arith.cmpi eq, %select_n3A_78, %iota3A_32 : vector<200x13xi32>
    %convert_element_type3A_80 = arith.extui %eq3A_79 : vector<200x13xi1> to vector<200x13xi32>
    %convert_element_type3A_81 = arith.sitofp %convert_element_type3A_80 : vector<200x13xi32> to vector<200x13xf32>
    %dot_general3A_82 = arith.constant dense<0.000000e+00> : vector<200x512xf32>
    %dot_general3A_83 = tpu.matmul %convert_element_type3A_81, %dot_general3A_13, %dot_general3A_82 {dimension_numbers = #tpu.dot_dimension_numbers<[1], [0], [0], [1], [0, 0, 1, 1], [], []>, transpose_lhs_hint = false} : vector<200x13xf32>, vector<13x512xf32>, vector<200x512xf32> -> vector<200x512xf32>
    %add3A_84 = arith.addf %dot_general3A_58, %dot_general3A_83 : vector<200x512xf32>
    %swap3A = arith.constant 0 : index
    %swap3A_85 = arith.constant 0 : index
    %swap3A_86 = vector.load %arg5[%swap3A, %swap3A_85] : memref<800x512xf32, #tpu.memory_space<vmem>>, vector<200x512xf32>
    tpu.vector_store %arg5[%swap3A, %swap3A_85], %add3A_84 {strides = array<i32>} : memref<800x512xf32, #tpu.memory_space<vmem>>, vector<200x512xf32>,
    %iota3A_87 = tpu.iota {dimensions = array<i32: 0>} : vector<600x30xi32>
    %iota3A_88 = tpu.iota {dimensions = array<i32: 1>} : vector<600x30xi32>
    %iota3A_89 = tpu.iota {dimensions = array<i32: 0>} : vector<600x20xi32>
    %iota3A_90 = tpu.iota {dimensions = array<i32: 1>} : vector<600x20xi32>
    %jit3A_91 = arith.constant 20 : i32
    %div3A_92 = vector.broadcast %jit3A_91 : i32 to vector<600x30xi32>
    %div3A_93 = arith.divsi %iota3A_87, %div3A_92 : vector<600x30xi32>
    %sign3A_94 = arith.constant 0 : i32
    %sign3A_95 = vector.broadcast %sign3A_94 : i32 to vector<600x30xi32>
    %sign3A_96 = arith.cmpi sgt, %iota3A_87, %sign3A_95 : vector<600x30xi32>
    %sign3A_97 = arith.extui %sign3A_96 : vector<600x30xi1> to vector<600x30xi32>
    %sign3A_98 = arith.constant 0 : i32
    %sign3A_99 = vector.broadcast %sign3A_98 : i32 to vector<600x30xi32>
    %sign3A_100 = arith.cmpi slt, %iota3A_87, %sign3A_99 : vector<600x30xi32>
    %sign3A_101 = arith.extui %sign3A_100 : vector<600x30xi1> to vector<600x30xi32>
    %sign3A_102 = arith.subi %sign3A_97, %sign3A_101 : vector<600x30xi32>
    %sign3A_103 = arith.constant 0 : i32
    %sign3A_104 = arith.cmpi sgt, %jit3A_91, %sign3A_103 : i32
    %sign3A_105 = arith.extui %sign3A_104 : i1 to i32
    %sign3A_106 = arith.constant 0 : i32
    %sign3A_107 = arith.cmpi slt, %jit3A_91, %sign3A_106 : i32
    %sign3A_108 = arith.extui %sign3A_107 : i1 to i32
    %sign3A_109 = arith.subi %sign3A_105, %sign3A_108 : i32
    %ne3A_110 = vector.broadcast %sign3A_109 : i32 to vector<600x30xi32>
    %ne3A_111 = arith.cmpi ne, %sign3A_102, %ne3A_110 : vector<600x30xi32>
    %rem3A_112 = vector.broadcast %jit3A_91 : i32 to vector<600x30xi32>
    %rem3A_113 = arith.remsi %iota3A_87, %rem3A_112 : vector<600x30xi32>
    %ne3A_114 = arith.constant 0 : i32
    %ne3A_115 = vector.broadcast %ne3A_114 : i32 to vector<600x30xi32>
    %ne3A_116 = arith.cmpi ne, %rem3A_113, %ne3A_115 : vector<600x30xi32>
    %and3A_117 = arith.andi %ne3A_111, %ne3A_116 : vector<600x30xi1>
    %sub3A_118 = arith.constant 1 : i32
    %sub3A_119 = vector.broadcast %sub3A_118 : i32 to vector<600x30xi32>
    %sub3A_120 = arith.subi %div3A_93, %sub3A_119 : vector<600x30xi32>
    %select_n3A_121 = arith.select %and3A_117, %sub3A_120, %div3A_93 : vector<600x30xi1>, vector<600x30xi32>
    %eq3A_122 = arith.cmpi eq, %select_n3A_121, %iota3A_88 : vector<600x30xi32>
    %convert_element_type3A_123 = arith.extui %eq3A_122 : vector<600x30xi1> to vector<600x30xi32>
    %convert_element_type3A_124 = arith.sitofp %convert_element_type3A_123 : vector<600x30xi32> to vector<600x30xf32>
    %dot_general3A_125 = arith.constant dense<0.000000e+00> : vector<600x512xf32>
    %dot_general3A_126 = tpu.matmul %convert_element_type3A_124, %dot_general3A_21, %dot_general3A_125 {dimension_numbers = #tpu.dot_dimension_numbers<[1], [0], [0], [1], [0, 0, 1, 1], [], []>, transpose_lhs_hint = false} : vector<600x30xf32>, vector<30x512xf32>, vector<600x512xf32> -> vector<600x512xf32>
    %jit3A_127 = arith.constant 20 : i32
    %eq3A_128 = arith.constant 0 : i32
    %eq3A_129 = arith.cmpi eq, %jit3A_127, %eq3A_128 : i32
    %jit3A_130 = arith.constant 1 : i32
    %select_n3A_131 = arith.select %eq3A_129, %jit3A_130, %jit3A_127 : i32
    %rem3A_132 = vector.broadcast %select_n3A_131 : i32 to vector<600x20xi32>
    %rem3A_133 = arith.remsi %iota3A_89, %rem3A_132 : vector<600x20xi32>
    %ne3A_134 = arith.constant 0 : i32
    %ne3A_135 = vector.broadcast %ne3A_134 : i32 to vector<600x20xi32>
    %ne3A_136 = arith.cmpi ne, %rem3A_133, %ne3A_135 : vector<600x20xi32>
    %lt3A_137 = arith.constant 0 : i32
    %lt3A_138 = vector.broadcast %lt3A_137 : i32 to vector<600x20xi32>
    %lt3A_139 = arith.cmpi slt, %rem3A_133, %lt3A_138 : vector<600x20xi32>
    %lt3A_140 = arith.constant 0 : i32
    %lt3A_141 = arith.cmpi slt, %select_n3A_131, %lt3A_140 : i32
    %ne3A_142 = vector.broadcast %lt3A_141 : i1 to vector<600x20xi1>
    %ne3A_143 = vector.broadcast %ne3A_142 : vector<600x20xi1> to vector<600x20xi1>
    %ne3A_144 = arith.xori %lt3A_139, %ne3A_143 : vector<600x20xi1>
    %and3A_145 = arith.andi %ne3A_144, %ne3A_136 : vector<600x20xi1>
    %add3A_146 = vector.broadcast %select_n3A_131 : i32 to vector<600x20xi32>
    %add3A_147 = arith.addi %rem3A_133, %add3A_146 : vector<600x20xi32>
    %select_n3A_148 = arith.select %and3A_145, %add3A_147, %rem3A_133 : vector<600x20xi1>, vector<600x20xi32>
    %eq3A_149 = arith.cmpi eq, %select_n3A_148, %iota3A_90 : vector<600x20xi32>
    %convert_element_type3A_150 = arith.extui %eq3A_149 : vector<600x20xi1> to vector<600x20xi32>
    %convert_element_type3A_151 = arith.sitofp %convert_element_type3A_150 : vector<600x20xi32> to vector<600x20xf32>
    %dot_general3A_152 = arith.constant dense<0.000000e+00> : vector<600x512xf32>
    %dot_general3A_153 = tpu.matmul %convert_element_type3A_151, %dot_general3A_29, %dot_general3A_152 {dimension_numbers = #tpu.dot_dimension_numbers<[1], [0], [0], [1], [0, 0, 1, 1], [], []>, transpose_lhs_hint = false} : vector<600x20xf32>, vector<20x512xf32>, vector<600x512xf32> -> vector<600x512xf32>
    %add3A_154 = arith.addf %dot_general3A_126, %dot_general3A_153 : vector<600x512xf32>
    %swap3A_155 = arith.constant 200 : index
    %swap3A_156 = arith.constant 0 : index
    %swap3A_157 = vector.load %arg5[%swap3A_155, %swap3A_156] : memref<800x512xf32, #tpu.memory_space<vmem>>, vector<600x512xf32>
    tpu.vector_store %arg5[%swap3A_155, %swap3A_156], %add3A_154 {strides = array<i32>} : memref<800x512xf32, #tpu.memory_space<vmem>>, vector<600x512xf32>,
    return
  }
}

module attributes {stable_mosaic.version = 14 : i64} {
  func.func @_finish_kernel(%arg0: i32, %arg1: memref<2048x512xf32, #tpu.memory_space<vmem>>, %arg2: memref<2048x1xi32, #tpu.memory_space<vmem>>, %arg3: memref<576x512xf32, #tpu.memory_space<vmem>>, %arg4: memref<1x64xf32, #tpu.memory_space<vmem>>, %arg5: memref<1x64xf32, #tpu.memory_space<vmem>>, %arg6: memref<64x64xf32, #tpu.memory_space<vmem>>, %arg7: memref<1x64xf32, #tpu.memory_space<vmem>>, %arg8: memref<1x512xf32, #tpu.memory_space<vmem>>, %arg9: memref<512x512xf32, #tpu.memory_space<vmem>>, %arg10: memref<1x512xf32, #tpu.memory_space<vmem>>, %arg11: memref<2048x512xf32, #tpu.memory_space<vmem>>, %arg12: memref<64x512xf32, #tpu.memory_space<vmem>>, %arg13: memref<1x512xf32, #tpu.memory_space<vmem>>, %arg14: memref<512x512xbf16, #tpu.memory_space<vmem>>) attributes {dimension_semantics = [#tpu.dimension_semantics<arbitrary>], iteration_bounds = array<i64: 8>, scalar_prefetch = 0 : i64, scratch_operands = 3 : i64, tpu.core_type = #tpu.core_type<tc>, window_params = [{transform_indices = @transform_0, window_bounds = array<i64: 2048, 512>}, {transform_indices = @transform_1, window_bounds = array<i64: 2048, 1>}, {pipeline_mode = #tpu.pipeline_mode<synchronous>, transform_indices = @transform_2, window_bounds = array<i64: 576, 512>}, {pipeline_mode = #tpu.pipeline_mode<synchronous>, transform_indices = @transform_3, window_bounds = array<i64: 1, 64>}, {pipeline_mode = #tpu.pipeline_mode<synchronous>, transform_indices = @transform_4, window_bounds = array<i64: 1, 64>}, {pipeline_mode = #tpu.pipeline_mode<synchronous>, transform_indices = @transform_5, window_bounds = array<i64: 64, 64>}, {pipeline_mode = #tpu.pipeline_mode<synchronous>, transform_indices = @transform_6, window_bounds = array<i64: 1, 64>}, {pipeline_mode = #tpu.pipeline_mode<synchronous>, transform_indices = @transform_7, window_bounds = array<i64: 1, 512>}, {pipeline_mode = #tpu.pipeline_mode<synchronous>, transform_indices = @transform_8, window_bounds = array<i64: 512, 512>}, {pipeline_mode = #tpu.pipeline_mode<synchronous>, transform_indices = @transform_9, window_bounds = array<i64: 1, 512>}, {transform_indices = @transform_10, window_bounds = array<i64: 2048, 512>}]} {
    %eq3A = arith.constant 0 : i32
    %eq3A_0 = arith.cmpi eq, %arg0, %eq3A : i32
    %convert_element_type3A = arith.extui %eq3A_0 : i1 to i32
    %cond3A = arith.constant 0 : i32
    %cond3A_1 = arith.cmpi ne, %convert_element_type3A, %cond3A : i32
    scf.if %cond3A_1 {
      %get3A_65 = arith.constant 384 : index
      %get3A_66 = arith.constant 0 : index
      %get3A_67 = vector.load %arg3[%get3A_65, %get3A_66] : memref<576x512xf32, #tpu.memory_space<vmem>>, vector<64x512xf32>
      %get3A_68 = arith.constant 0 : index
      %get3A_69 = arith.constant 0 : index
      %get3A_70 = vector.load %arg6[%get3A_68, %get3A_69] : memref<64x64xf32, #tpu.memory_space<vmem>>, vector<64x64xf32>
      %dot_general3A_71 = arith.constant dense<0.000000e+00> : vector<64x512xf32>
      %dot_general3A_72 = tpu.matmul %get3A_70, %get3A_67, %dot_general3A_71 {dimension_numbers = #tpu.dot_dimension_numbers<[1], [0], [0], [1], [0, 0, 1, 1], [], []>, transpose_lhs_hint = false} : vector<64x64xf32>, vector<64x512xf32>, vector<64x512xf32> -> vector<64x512xf32>
      %swap3A_73 = arith.constant 0 : index
      %swap3A_74 = arith.constant 0 : index
      %swap3A_75 = vector.load %arg12[%swap3A_73, %swap3A_74] : memref<64x512xf32, #tpu.memory_space<vmem>>, vector<64x512xf32>
      tpu.vector_store %arg12[%swap3A_73, %swap3A_74], %dot_general3A_72 {strides = array<i32>} : memref<64x512xf32, #tpu.memory_space<vmem>>, vector<64x512xf32>,
      %get3A_76 = arith.constant 0 : index
      %get3A_77 = arith.constant 0 : index
      %get3A_78 = vector.load %arg8[%get3A_76, %get3A_77] : memref<1x512xf32, #tpu.memory_space<vmem>>, vector<1x512xf32>
      %get3A_79 = arith.constant 0 : index
      %get3A_80 = arith.constant 0 : index
      %get3A_81 = vector.load %arg7[%get3A_79, %get3A_80] : memref<1x64xf32, #tpu.memory_space<vmem>>, vector<1x64xf32>
      %dot_general3A_82 = arith.constant dense<0.000000e+00> : vector<1x512xf32>
      %dot_general3A_83 = tpu.matmul %get3A_81, %get3A_67, %dot_general3A_82 {dimension_numbers = #tpu.dot_dimension_numbers<[1], [0], [0], [1], [0, 0, 1, 1], [], []>, transpose_lhs_hint = false} : vector<1x64xf32>, vector<64x512xf32>, vector<1x512xf32> -> vector<1x512xf32>
      %add3A_84 = arith.addf %get3A_78, %dot_general3A_83 : vector<1x512xf32>
      %swap3A_85 = arith.constant 0 : index
      %swap3A_86 = arith.constant 0 : index
      %swap3A_87 = vector.load %arg13[%swap3A_85, %swap3A_86] : memref<1x512xf32, #tpu.memory_space<vmem>>, vector<1x512xf32>
      tpu.vector_store %arg13[%swap3A_85, %swap3A_86], %add3A_84 {strides = array<i32>} : memref<1x512xf32, #tpu.memory_space<vmem>>, vector<1x512xf32>,
      %get3A_88 = arith.constant 0 : index
      %get3A_89 = arith.constant 0 : index
      %get3A_90 = vector.load %arg9[%get3A_88, %get3A_89] : memref<512x512xf32, #tpu.memory_space<vmem>>, vector<512x512xf32>
      %convert_element_type3A_91 = arith.truncf %get3A_90 : vector<512x512xf32> to vector<512x512xbf16>
      %swap3A_92 = arith.constant 0 : index
      %swap3A_93 = arith.constant 0 : index
      %swap3A_94 = vector.load %arg14[%swap3A_92, %swap3A_93] : memref<512x512xbf16, #tpu.memory_space<vmem>>, vector<512x512xbf16>
      tpu.vector_store %arg14[%swap3A_92, %swap3A_93], %convert_element_type3A_91 {strides = array<i32>} : memref<512x512xbf16, #tpu.memory_space<vmem>>, vector<512x512xbf16>,
    } else {
    }
    %get3A = arith.constant 0 : index
    %get3A_2 = arith.constant 0 : index
    %get3A_3 = vector.load %arg2[%get3A, %get3A_2] : memref<2048x1xi32, #tpu.memory_space<vmem>>, vector<2048x1xi32>
    %convert_element_type3A_4 = arith.sitofp %get3A_3 : vector<2048x1xi32> to vector<2048x1xf32>
    %sub3A = arith.constant 1.920000e+03 : f32
    %sub3A_5 = vector.broadcast %sub3A : f32 to vector<2048x1xf32>
    %sub3A_6 = arith.subf %convert_element_type3A_4, %sub3A_5 : vector<2048x1xf32>
    %div3A = arith.constant 1.100000e+02 : f32
    %div3A_7 = vector.broadcast %div3A : f32 to vector<2048x1xf32>
    %div3A_8 = arith.divf %sub3A_6, %div3A_7 : vector<2048x1xf32>
    %get3A_9 = arith.constant 0 : index
    %get3A_10 = arith.constant 0 : index
    %get3A_11 = vector.load %arg4[%get3A_9, %get3A_10] : memref<1x64xf32, #tpu.memory_space<vmem>>, vector<1x64xf32>
    %mul3A = vector.broadcast %div3A_8 : vector<2048x1xf32> to vector<2048x64xf32>
    %mul3A_12 = vector.broadcast %get3A_11 : vector<1x64xf32> to vector<2048x64xf32>
    %mul3A_13 = arith.mulf %mul3A, %mul3A_12 : vector<2048x64xf32>
    %get3A_14 = arith.constant 0 : index
    %get3A_15 = arith.constant 0 : index
    %get3A_16 = vector.load %arg5[%get3A_14, %get3A_15] : memref<1x64xf32, #tpu.memory_space<vmem>>, vector<1x64xf32>
    %add3A = vector.broadcast %get3A_16 : vector<1x64xf32> to vector<2048x64xf32>
    %add3A_17 = arith.addf %mul3A_13, %add3A : vector<2048x64xf32>
    %mul3A_18 = arith.constant 5.000000e-01 : f32
    %mul3A_19 = vector.broadcast %mul3A_18 : f32 to vector<2048x64xf32>
    %mul3A_20 = arith.mulf %mul3A_19, %add3A_17 : vector<2048x64xf32>
    %mul3A_21 = arith.constant 0.707106769 : f32
    %mul3A_22 = vector.broadcast %mul3A_21 : f32 to vector<2048x64xf32>
    %mul3A_23 = arith.mulf %add3A_17, %mul3A_22 : vector<2048x64xf32>
    %erf3A = math.erf %mul3A_23 : vector<2048x64xf32>
    %add3A_24 = arith.constant 1.000000e+00 : f32
    %add3A_25 = vector.broadcast %add3A_24 : f32 to vector<2048x64xf32>
    %add3A_26 = arith.addf %add3A_25, %erf3A : vector<2048x64xf32>
    %mul3A_27 = arith.mulf %mul3A_20, %add3A_26 : vector<2048x64xf32>
    %get3A_28 = arith.constant 0 : index
    %get3A_29 = arith.constant 0 : index
    %get3A_30 = vector.load %arg1[%get3A_28, %get3A_29] : memref<2048x512xf32, #tpu.memory_space<vmem>>, vector<2048x512xf32>
    %get3A_31 = arith.constant 0 : index
    %get3A_32 = arith.constant 0 : index
    %get3A_33 = vector.load %arg12[%get3A_31, %get3A_32] : memref<64x512xf32, #tpu.memory_space<vmem>>, vector<64x512xf32>
    %dot_general3A = arith.constant dense<0.000000e+00> : vector<2048x512xf32>
    %dot_general3A_34 = tpu.matmul %mul3A_27, %get3A_33, %dot_general3A {dimension_numbers = #tpu.dot_dimension_numbers<[1], [0], [0], [1], [0, 0, 1, 1], [], []>, transpose_lhs_hint = false} : vector<2048x64xf32>, vector<64x512xf32>, vector<2048x512xf32> -> vector<2048x512xf32>
    %add3A_35 = arith.addf %get3A_30, %dot_general3A_34 : vector<2048x512xf32>
    %get3A_36 = arith.constant 0 : index
    %get3A_37 = arith.constant 0 : index
    %get3A_38 = vector.load %arg13[%get3A_36, %get3A_37] : memref<1x512xf32, #tpu.memory_space<vmem>>, vector<1x512xf32>
    %add3A_39 = vector.broadcast %get3A_38 : vector<1x512xf32> to vector<2048x512xf32>
    %add3A_40 = arith.addf %add3A_35, %add3A_39 : vector<2048x512xf32>
    %mul3A_41 = arith.constant 5.000000e-01 : f32
    %mul3A_42 = vector.broadcast %mul3A_41 : f32 to vector<2048x512xf32>
    %mul3A_43 = arith.mulf %mul3A_42, %add3A_40 : vector<2048x512xf32>
    %mul3A_44 = arith.constant 0.707106769 : f32
    %mul3A_45 = vector.broadcast %mul3A_44 : f32 to vector<2048x512xf32>
    %mul3A_46 = arith.mulf %add3A_40, %mul3A_45 : vector<2048x512xf32>
    %erf3A_47 = math.erf %mul3A_46 : vector<2048x512xf32>
    %add3A_48 = arith.constant 1.000000e+00 : f32
    %add3A_49 = vector.broadcast %add3A_48 : f32 to vector<2048x512xf32>
    %add3A_50 = arith.addf %add3A_49, %erf3A_47 : vector<2048x512xf32>
    %mul3A_51 = arith.mulf %mul3A_43, %add3A_50 : vector<2048x512xf32>
    %convert_element_type3A_52 = arith.truncf %mul3A_51 : vector<2048x512xf32> to vector<2048x512xbf16>
    %get3A_53 = arith.constant 0 : index
    %get3A_54 = arith.constant 0 : index
    %get3A_55 = vector.load %arg14[%get3A_53, %get3A_54] : memref<512x512xbf16, #tpu.memory_space<vmem>>, vector<512x512xbf16>
    %dot_general3A_56 = arith.constant dense<0.000000e+00> : vector<2048x512xf32>
    %dot_general3A_57 = tpu.matmul %convert_element_type3A_52, %get3A_55, %dot_general3A_56 {dimension_numbers = #tpu.dot_dimension_numbers<[1], [0], [0], [1], [0, 0, 1, 1], [], []>, transpose_lhs_hint = false} : vector<2048x512xbf16>, vector<512x512xbf16>, vector<2048x512xf32> -> vector<2048x512xf32>
    %get3A_58 = arith.constant 0 : index
    %get3A_59 = arith.constant 0 : index
    %get3A_60 = vector.load %arg10[%get3A_58, %get3A_59] : memref<1x512xf32, #tpu.memory_space<vmem>>, vector<1x512xf32>
    %add3A_61 = vector.broadcast %get3A_60 : vector<1x512xf32> to vector<2048x512xf32>
    %add3A_62 = arith.addf %dot_general3A_57, %add3A_61 : vector<2048x512xf32>
    %swap3A = arith.constant 0 : index
    %swap3A_63 = arith.constant 0 : index
    %swap3A_64 = vector.load %arg11[%swap3A, %swap3A_63] : memref<2048x512xf32, #tpu.memory_space<vmem>>, vector<2048x512xf32>
    tpu.vector_store %arg11[%swap3A, %swap3A_63], %add3A_62 {strides = array<i32>} : memref<2048x512xf32, #tpu.memory_space<vmem>>, vector<2048x512xf32>,
    return
  }
  func.func @transform_0(%arg0: i32) -> (i32, i32) {
    %c0_i32 = arith.constant 0 : i32
    %c0_i32_0 = arith.constant 0 : i32
    return %arg0, %c0_i32 : i32, i32
  }
  func.func @transform_1(%arg0: i32) -> (i32, i32) {
    %c0_i32 = arith.constant 0 : i32
    %c0_i32_0 = arith.constant 0 : i32
    return %arg0, %c0_i32 : i32, i32
  }
  func.func @transform_2(%arg0: i32) -> (i32, i32) {
    %c0_i32 = arith.constant 0 : i32
    %c0_i32_0 = arith.constant 0 : i32
    %c0_i32_1 = arith.constant 0 : i32
    return %c0_i32, %c0_i32_0 : i32, i32
  }
  func.func @transform_3(%arg0: i32) -> (i32, i32) {
    %c0_i32 = arith.constant 0 : i32
    %c0_i32_0 = arith.constant 0 : i32
    %c0_i32_1 = arith.constant 0 : i32
    return %c0_i32, %c0_i32_0 : i32, i32
  }
  func.func @transform_4(%arg0: i32) -> (i32, i32) {
    %c0_i32 = arith.constant 0 : i32
    %c0_i32_0 = arith.constant 0 : i32
    %c0_i32_1 = arith.constant 0 : i32
    return %c0_i32, %c0_i32_0 : i32, i32
  }
  func.func @transform_5(%arg0: i32) -> (i32, i32) {
    %c0_i32 = arith.constant 0 : i32
    %c0_i32_0 = arith.constant 0 : i32
    %c0_i32_1 = arith.constant 0 : i32
    return %c0_i32, %c0_i32_0 : i32, i32
  }
  func.func @transform_6(%arg0: i32) -> (i32, i32) {
    %c0_i32 = arith.constant 0 : i32
    %c0_i32_0 = arith.constant 0 : i32
    %c0_i32_1 = arith.constant 0 : i32
    return %c0_i32, %c0_i32_0 : i32, i32
  }
  func.func @transform_7(%arg0: i32) -> (i32, i32) {
    %c0_i32 = arith.constant 0 : i32
    %c0_i32_0 = arith.constant 0 : i32
    %c0_i32_1 = arith.constant 0 : i32
    return %c0_i32, %c0_i32_0 : i32, i32
  }
  func.func @transform_8(%arg0: i32) -> (i32, i32) {
    %c0_i32 = arith.constant 0 : i32
    %c0_i32_0 = arith.constant 0 : i32
    %c0_i32_1 = arith.constant 0 : i32
    return %c0_i32, %c0_i32_0 : i32, i32
  }
  func.func @transform_9(%arg0: i32) -> (i32, i32) {
    %c0_i32 = arith.constant 0 : i32
    %c0_i32_0 = arith.constant 0 : i32
    %c0_i32_1 = arith.constant 0 : i32
    return %c0_i32, %c0_i32_0 : i32, i32
  }
  func.func @transform_10(%arg0: i32) -> (i32, i32) {
    %c0_i32 = arith.constant 0 : i32
    %c0_i32_0 = arith.constant 0 : i32
    return %arg0, %c0_i32 : i32, i32
  }
}

</mosaic_0001>

<sc_bundles>
// kernel: kernel.5.cloned.1.call-start
scs
__scs_entry_jumppad:
0x0: {  	(pc) =	sbr.rel $0x88, $3  }
0x1: {  	(tag) =	ssettag $0x0;
	lr =	simm.s32 $0x1  }
0x2: {  	[smem:$0x3F90] =	sst lr;
	_ =	strace $0xD0000000  }
0x3: {  	_ = 	snop  }
0x4: {  	_ = 	snop  }
0x5: {  	_ = 	snop  }
0x6: {  	_ = 	snop  }
0x7: {  	_ = 	snop  }
__scs_overlays_trampoline_lowered:
0x8: {  	[smem:$0x3F9F] =	sst s0  }
0x9: {  	[smem:$0x3FA0] =	sst s1  }
0xa: {  	[smem:$0x3FA1] =	sst s2  }
0xb: {  	[smem:$0x3FA2] =	sst s3  }
0xc: {  	[smem:$0x3FA3] =	sst s4  }
0xd: {  	[smem:$0x3FA4] =	sst s5  }
0xe: {  	[smem:$0x3FA5] =	sst s6  }
0xf: {  	[smem:$0x3FA6] =	sst s7  }
0x10: {  	[smem:$0x3FA7] =	sst s8  }
0x11: {  	[smem:$0x3FA8] =	sst s9;
	s0 =	simm.s32 @!p0 $0x0  }
0x12: {  	s1 =	sld [smem:$0x3F8E];
	s0 =	simm.s32 @p0 $0x1  }
0x13: {  	[smem:$0x3FA9] =	sst s0;
	s0 =	simm.s32 @!p1 $0x0  }
0x14: {  	s2 =	sld [smem:$0x3F8D];
	s0 =	simm.s32 @p1 $0x1  }
0x15: {  	[smem:$0x3FAA] =	sst s0;
	s0 =	simm.s32 @!p2 $0x0  }
0x16: {  	s3 =	sld [smem:$0x3FDB];
	s0 =	simm.s32 @p2 $0x1  }
0x17: {  	s4 =	simm.s32 $0x1BF5;
	[smem:$0x3FAC] =	sst s0  }
0x18: {  	s0 =	sld [smem:$0x3F8F];
	_ =	swait.ge [sflag:s4], $0x0  }
0x19: {  	s7 =	sld [smem:$0x3F90]  }
0x1a: {  	s8 =	sadd.s32 $0xFFFFE003, lr  }
0x1b: {  	s9 =	sadd.s32 $0xFFFFFEF7, lr;
	s5 =	simm.s32 $0xFFFFFFFF;
	p2 =	slt.u32 s8, $0xFFFFF086  }
0x1c: {  	p1 =	slt.u32 s9, $0xF7A;
	s5 =	simm.s32 @!p2 $0x0  }
0x1d: {  	s5 =	simm.s32 @p1 $0x1;
	p0 =	seq.s32 s7, s2  }
0x1e: {  	s7 =	smul.u32 @!p0 $0xF7A, s2;
	p2 =	seq.s32 @!p0 s5, $0x0  }
0x1f: {  	s9 =	smul.u32 $0xF7A, s1;
	s8 =	simm.s32 @!p0 $0x1BF5;
	p2 =	por !p2, p0  }
0x20: {  	[sflag:s8] =	ssyncset.s32 @!p0 $0xFFFFF086;
	s6 =	sadd.s32 @!p0 s3, s7;
	s7 =	simm.s32 @!p0 $0x108  }
0x21: {  	s3 =	sadd.s32 s3, s9;
	s6 =	sadd.s32 @!p0 $0x88, s6;
	s7 =	simm.s32 @p2 $0x1082  }
0x22: {  	[simem:s7], [sflag:s8] =	dma.local @!p0 [hbm:s6], $0xF7A  }
0x23: {  	s9 =	sor.u32 $0xD0000000, s2;
	s6 =	simm.s32 $0x108;
	_ =	swait.ge @!p0 [sflag:s8], $0x0  }
0x24: {  	s3 =	sadd.s32 $0x88, s3;
	s6 =	simm.s32 @!p1 $0x1082;
	[sflag:s4] =	ssyncset.s32 $0xFFFFF086  }
0x25: {  	[simem:s6], [sflag:s4] =	dma.local [hbm:s3], $0xF7A  }
0x26: {  	[smem:$0x3F90] =	sst s1;
	(tag) =	ssettag s2;
	_ =	strace s9  }
0x27: {  	s1 =	sld [smem:$0x3FA0]  }
0x28: {  	s2 =	sld [smem:$0x3FA1]  }
0x29: {  	s4 =	sld [smem:$0x3FA3]  }
0x2a: {  	p0 =	seq.s32 s5, $0x0;
	s5 =	sld [smem:$0x3FA4]  }
0x2b: {  	s6 =	sld [smem:$0x3FA5]  }
0x2c: {  	s7 =	sld [smem:$0x3FA6]  }
0x2d: {  	s3 =	simm.s32 $0x108;
	s8 =	sld [smem:$0x3FA7]  }
0x2e: {  	s3 =	simm.s32 @!p0 $0x1082;
	s9 =	sld [smem:$0x3FA8]  }
0x2f: {  	lr =	sadd.s32 s0, s3;
	s0 =	sld [smem:$0x3F9F]  }
0x30: {  	s3 =	sld [smem:$0x3FA2]  }
0x31: {  	[smem:$0x3FAB] =	sst s10  }
0x32: {  	s10 =	sld [smem:$0x3FA9];
	_ =	sdelay $0x3  }
0x33: {  	p0 =	seq.s32 s10, $0x1;
	s10 =	sld [smem:$0x3FAB];
	_ =	sdelay $0x3  }
0x34: {  	[smem:$0x3FAB] =	sst s10  }
0x35: {  	s10 =	sld [smem:$0x3FAA];
	_ =	sdelay $0x3  }
0x36: {  	p1 =	seq.s32 s10, $0x1;
	s10 =	sld [smem:$0x3FAB];
	_ =	sdelay $0x3  }
0x37: {  	[smem:$0x3FAB] =	sst s10  }
0x38: {  	s10 =	sld [smem:$0x3FAC]  }
0x39: {  	_ = 	snop;
	(pc) =	sbr.ind lr, $3  }
0x3a: {  	_ = 	snop  }
0x3b: {  	_ = 	snop  }
0x3c: {  	p2 =	seq.s32 s10, $0x1;
	s10 =	sld [smem:$0x3FAB]  }
0x3d: {  	_ =	shalt  }
0x3e: {  	_ =	shalt  }
0x3f: {  	_ =	shalt  }
0x40: {  	_ =	shalt  }
0x41: {  	_ =	shalt  }
0x42: {  	_ =	shalt  }
0x43: {  	_ =	shalt  }
0x44: {  	_ =	shalt  }
0x45: {  	_ =	shalt  }
0x46: {  	_ =	shalt  }
0x47: {  	_ =	shalt  }
0x48: {  	_ =	shalt  }
0x49: {  	_ =	shalt  }
0x4a: {  	_ =	shalt  }
0x4b: {  	_ =	shalt  }
0x4c: {  	_ =	shalt  }
0x4d: {  	_ =	shalt  }
0x4e: {  	_ =	shalt  }
0x4f: {  	_ =	shalt  }
0x50: {  	_ =	shalt  }
0x51: {  	_ =	shalt  }
0x52: {  	_ =	shalt  }
0x53: {  	_ =	shalt  }
0x54: {  	_ =	shalt  }
0x55: {  	_ =	shalt  }
0x56: {  	_ =	shalt  }
0x57: {  	_ =	shalt  }
0x58: {  	_ =	shalt  }
0x59: {  	_ =	shalt  }
0x5a: {  	_ =	shalt  }
0x5b: {  	_ =	shalt  }
0x5c: {  	_ =	shalt  }
0x5d: {  	_ =	shalt  }
0x5e: {  	_ =	shalt  }
0x5f: {  	_ =	shalt  }
0x60: {  	_ =	shalt  }
0x61: {  	_ =	shalt  }
0x62: {  	_ =	shalt  }
0x63: {  	_ =	shalt  }
0x64: {  	_ =	shalt  }
0x65: {  	_ =	shalt  }
0x66: {  	_ =	shalt  }
0x67: {  	_ =	shalt  }
0x68: {  	_ =	shalt  }
0x69: {  	_ =	shalt  }
0x6a: {  	_ =	shalt  }
0x6b: {  	_ =	shalt  }
0x6c: {  	_ =	shalt  }
0x6d: {  	_ =	shalt  }
0x6e: {  	_ =	shalt  }
0x6f: {  	_ =	shalt  }
0x70: {  	_ =	shalt  }
0x71: {  	_ =	shalt  }
0x72: {  	_ =	shalt  }
0x73: {  	_ =	shalt  }
0x74: {  	_ =	shalt  }
0x75: {  	_ =	shalt  }
0x76: {  	_ =	shalt  }
0x77: {  	_ =	shalt  }
0x78: {  	_ =	shalt  }
0x79: {  	_ =	shalt  }
0x7a: {  	_ =	shalt  }
0x7b: {  	_ =	shalt  }
0x7c: {  	_ =	shalt  }
0x7d: {  	_ =	shalt  }
0x7e: {  	_ =	shalt  }
0x7f: {  	_ =	shalt  }
0x80: {  	_ =	shalt  }
0x81: {  	_ =	shalt  }
0x82: {  	_ =	shalt  }
0x83: {  	_ =	shalt  }
0x84: {  	_ =	shalt  }
0x85: {  	_ =	shalt  }
0x86: {  	_ =	shalt  }
0x87: {  	_ =	shalt  }
.Lfunc_end0:
.L_simem_size_0:
called_computation_lowered:
.L_overlay_start_0:
0x88: {  	s2 =	sld [smem:$0x3FD9]  }
0x89: {  	s3 =	sld [smem:$0x3FFE];
	_ =	sdelay $0x1  }
0x8a: {  	s1 =	srdreg.scid  }
0x8b: {  	s0 =	sand.u32 $0x1, s1  }
0x8c: {  	s17 =	sshll.u32 s0, $0xA;
	s2 =	sadd.s32 s3, s2  }
0x8d: {  	s2 =	sadd.s32 s2, s17  }
0x8e: {  	[smem:$0x3FB7] =	sst s2  }
0x8f: {  	_ = 	snop  }
0x90: {  	s2 =	sld [smem:$0x3FC9]  }
0x91: {  	s18 =	sld [smem:$0x3FC8]  }
0x92: {  	s4 =	sld [smem:$0x3FC6]  }
0x93: {  	s5 =	sld [smem:$0x3FC5]  }
0x94: {  	s6 =	sld [smem:$0x3FD0];
	(tm) =	ssettm $0x1  }
0x95: {  	s7 =	sld [smem:$0x3FFB];
	_ =	sdelay $0x3  }
0x96: {  	_ =	strace s7  }
0x97: {  	s7 =	sld [smem:$0x3FFC];
	_ =	sdelay $0x3  }
0x98: {  	_ =	strace s7  }
0x99: {  	s7 =	sld [smem:$0x3FFD];
	_ =	sdelay $0x3  }
0x9a: {  	_ =	strace s7  }
0x9b: {  	_ =	strace $0x8FFFFFFF  }
0x9c: {  	s19 =	sld [smem:$0x3FDB];
	_ =	sdelay $0x1  }
0x9d: {  	s8 =	simm.s32 $_scs_section_size  }
0x9e: {  	s9 =	simm.s32 $_size__tile_overlayer_lowered;
	s10 =	simm.s32 $_tile_overlayer_lowered  }
0x9f: {  	s22 =	simm.s32 $0x1BFF;
	s21 =	sshll.u32 s10, $0x1;
	s7 =	sadd.s32 s8, s19  }
0xa0: {  	s11 =	simm.s32 $0x0;
	s20 =	sshll.u32 s9, $0x1;
	s9 =	sadd.s32 s21, s7  }
0xa1: {  	[timem:s11], [sflag:s22] =	dma.local [hbm:s9], s20  }
0xa2: {  	_ =	swait.ge [sflag:s22], s20  }
0xa3: {  	s8 =	ssub.s32 $0x0, s20;
	[sflag:s22] =	ssyncset.done $0x0  }
0xa4: {  	[sflag:s22] =	ssyncadd.s32 s8;
	_ =	sdelay $0x1  }
0xa5: {  	s23 =	simm.s32 $0x1B8B  }
0xa6: {  	_ =	swait.ge [sflag:s23], $0x1  }
0xa7: {  	[sflag:s23] =	ssyncset.done $0x0  }
0xa8: {  	s25 =	simm.s32 $0x1B8E;
	s24 =	sld [smem:$0x3FFE];
	[sflag:s23] =	ssyncadd.s32 $0xFFFFFFFF  }
0xa9: {  	s26 =	simm.s32 $execute0_lowered;
	[smem:$0x3FD2] =	sst s25  }
0xaa: {  	s9 =	sshll.u32 s26, $0x1;
	_ =	strace $0x80000046;
	[dreg:$0x1] =	wrdreg $0xFFFFFFFF  }
0xab: {  	s28 =	simm.s32 $_size_execute0_lowered;
	s7 =	sadd.s32 s7, s9;
	[dreg:$0x0] =	wrdreg $0x0  }
0xac: {  	s9 =	sshll.u32 s28, $0x1;
	[dreg:$0x2] =	wrdreg s7  }
0xad: {  	[dreg:$0x3] =	wrdreg s9  }
0xae: {  	[dreg:$0x4] =	wrdreg $0xC0  }
0xaf: {  	_ =	task [dreg:s11], $0x5FFFF  }
0xb0: {  	[dreg:$0x1] =	wrdreg $0xFFFFFFFF  }
0xb1: {  	[dreg:$0x0] =	wrdreg $0x60  }
0xb2: {  	[dreg:$0x2] =	wrdreg s6  }
0xb3: {  	[dreg:$0x3] =	wrdreg s2  }
0xb4: {  	[dreg:$0x4] =	wrdreg s18  }
0xb5: {  	[dreg:$0x5] =	wrdreg s4  }
0xb6: {  	[dreg:$0x6] =	wrdreg s5  }
0xb7: {  	[dreg:$0x7] =	wrdreg s24  }
0xb8: {  	[dreg:$0x8] =	wrdreg $0x9  }
0xb9: {  	_ =	task.clear_ibuf [dreg:s11], $0x9FFFF;
	_ =	strace $0x90000046  }
0xba: {  	s29 =	simm.s32 $0x9;
	_ =	strace $0x80000048  }
0xbb: {  	_ =	swait.ge [sflag:s29], $0x1  }
0xbc: {  	[sflag:s29] =	ssyncadd.s32 $0xFFFFFFFF  }
0xbd: {  	_ =	strace $0x90000048  }
0xbe: {  	_ =	sfence  }
0xbf: {  	s30 =	sld [smem:$0x0];
	_ =	sdelay $0x2  }
0xc0: {  	s31 =	sshll.u32 s1, $0xD;
	s1 =	sshrl.u32 s1, $0x2  }
0xc1: {  	s3 =	sand.u32 $0x4000, s31;
	s1 =	sadd.s32 s1, s30  }
0xc2: {  	s0 =	sor.u32 s3, s0;
	s1 =	sshll.u32 s1, $0x11  }
0xc3: {  	s0 =	sor.u32 s1, s0  }
0xc4: {  	s0 =	sadd.s32 $0x8F2B, s0  }
0xc5: {  	[sflag:s0] =	ssyncadd.remote.s32 $0x1  }
0xc6: {  	_ =	sfence.sel $0xFFFF  }
0xc7: {  	[dreg:$0x0] =	wrdreg $0xFFFFFFFF;
	(pc) =	sbr.abs _section_cstart, $3  }
0xc8: {  	[dreg:$0x1] =	wrdreg $0xFFFFFFFF  }
0xc9: {  	_ =	task.clear_ibuf [dreg:s11], $0x2FFFF;
	_ =	strace $0x9FFFFFFF  }
0xca: {  	(tm) =	ssettm $0x7FFFFFFF  }
0xcb: {  	_ =	shalt  }
tec
execute0_lowered:
.L_overlay_start_1:
0x0: {  	(tag) =	ssettag $0x1  }
0x1: {  	s1 =	rddreg [dreg:$0x0]  }
0x2: {  	s0 =	rddreg [dreg:$0x1]  }
0x3: {  	s2 =	rddreg [dreg:$0x2]  }
0x4: {  	s6 =	rddreg [dreg:$0x3]  }
0x5: {  	s7 =	rddreg [dreg:$0x4]  }
0x6: {  	s5 =	rddreg [dreg:$0x5]  }
0x7: {  	s3 =	simm.s32 $0x0;
	s4 =	srdreg.scid;
	s9 =	stileid.u32  }
0x8: {  	s12 =	simm.s32 $0x3;
	s16 =	simm.s32 $0x900;
	s13 =	simm.s32 $0x9100  }
0x9: {  	s14 =	simm.s32 $0x9900;
	s15 =	simm.s32 $0xA100;
	s11 =	simm.s32 $0xC900  }
0xa: {  	s17 =	simm.s32 $0xD100;
	s18 =	simm.s32 $0xD900;
	s19 =	simm.s32 $0xE100  }
0xb: {  	s20 =	simm.s32 $0xE900;
	s21 =	simm.s32 $0xF100;
	s22 =	simm.s32 $0xF900  }
0xc: {  	s23 =	simm.s32 $0x10100;
	s24 =	simm.s32 $0x1;
	s4 =	sand.u32 $0x1, s4  }
0xd: {  	s9 =	sshll.u32 s9, $0xA;
	s8 =	ssub.s32 $0x2, s4;
	s4 =	sshll.u32 s4, $0x9  }
0xe: {  	s25 =	simm.s32 $0x2;
	[smem:$0x7FF] =	sst s3;
	s4 =	sor.u32 s4, s9  }
0xf: {  	s5 =	sadd.s32 $0x2200, s5;
	s10 =	sshrl.u32 s8, $0x1;
	s9 =	sshrl.u32 s4, $0x3  }
0x10: {  	_ =	strace $0x80000047;
	s8 =	ssub.s32 s8, s10;
	s0 =	sadd.s32 s0, s9  }
0x11: {  	s10 =	sadd.s32 $0x100, s1;
	s28 =	sadd.s32 s2, s9;
	[dreg:$0x7] =	wrdreg s0  }
0x12: {  	s29 =	sadd.s32 s6, s9;
	s30 =	sadd.s32 s7, s9;
	[dreg:$0x8] =	wrdreg s28  }
0x13: {  	v2 =	vlaneseq.u32;
	s31 =	smax.u32 s8, $0x1;
	s6 =	simm.s32 $0xA900;
	[dreg:$0x9] =	wrdreg s29  }
0x14: {  	vm0 =	vmmov $0xffff;
	v1 =	vshrl.u32 v2, $0x3;
	s7 =	simm.s32 $0xB100;
	s8 =	simm.s32 $0xB900;
	[dreg:$0xa] =	wrdreg s30  }
0x15: {  	v0 =	vand.u32 $0x7, v2;
	v2 =	vor.u32 $0x8, v2;
	v1 =	vmul.u32 $0x8, v1;
	s9 =	simm.s32 $0xC100;
	s2 =	simm.s32 $0x0;
	[dreg:$0xb] =	wrdreg s31  }
.LBB2_1:
0x16: {  	[dreg:$0xc] =	wrdreg s2  }
0x17: {  	s0 =	rddreg [dreg:$0x7]  }
0x18: {  	[tilespmem:s3], [sflag:$0x3] =	stream.linear.gather [hbm4b:s0+s3], $0x200, $0x38;
	[tilespmem:$0x10900] =	vst v63  }
0x19: {  	_ =	swait.ge [sflag:s12], $0x200  }
0x1a: {  	[sflag:s12] =	ssyncset.done $0x0  }
0x1b: {  	s26 =	simm.s32 $0x200;
	s2 =	rddreg [dreg:$0x8];
	[sflag:s12] =	ssyncadd.s32 $0xFFFFFE00  }
0x1c: {  	[tilespmem:s26], [sflag:$0x3] =	stream.linear.gather [hbm4b:s2+s3], $0x200, $0x38;
	[tilespmem:$0x10900] =	vst v63  }
0x1d: {  	_ =	swait.ge [sflag:s12], $0x200  }
0x1e: {  	[sflag:s12] =	ssyncset.done $0x0  }
0x1f: {  	s29 =	simm.s32 $0x400;
	s28 =	rddreg [dreg:$0x9];
	[sflag:s12] =	ssyncadd.s32 $0xFFFFFE00  }
0x20: {  	[tilespmem:s29], [sflag:$0x3] =	stream.linear.gather [hbm4b:s28+s3], $0x200, $0x38;
	[tilespmem:$0x10900] =	vst v63  }
0x21: {  	_ =	swait.ge [sflag:s12], $0x200  }
0x22: {  	[sflag:s12] =	ssyncset.done $0x0  }
0x23: {  	s31 =	simm.s32 $0x600;
	s30 =	rddreg [dreg:$0xa];
	[sflag:s12] =	ssyncadd.s32 $0xFFFFFE00  }
0x24: {  	[tilespmem:s31], [sflag:$0x3] =	stream.linear.gather [hbm4b:s30+s3], $0x200, $0x38;
	[tilespmem:$0x10900] =	vst v63  }
0x25: {  	_ =	swait.ge [sflag:s12], $0x200  }
0x26: {  	[sflag:s12] =	ssyncset.done $0x0  }
0x27: {  	s26 =	simm.s32 $0x0;
	[sflag:s12] =	ssyncadd.s32 $0xFFFFFE00  }
.LBB2_2:
0x28: {  	s28 =	sshll.u32 s26, $0x6  }
0x29: {  	v3 =	vld [tilespmem:s28+$0x0];
	_ =	sdelay $0x1  }
0x2a: {  	v4 =	vld [tilespmem:s28+$0x200];
	_ =	sdelay $0x2  }
0x2b: {  	v3 =	vmul.u32 $0xD, v3;
	_ =	sdelay $0x1  }
0x2c: {  	v3 =	vadd.s32 v4, v3  }
0x2d: {  	[tilespmem:$0x800] =	vst v3  }
0x2e: {  	v3 =	vld [tilespmem:s28+$0x400];
	_ =	sdelay $0x1  }
0x2f: {  	v4 =	vld [tilespmem:s28+$0x600];
	_ =	sdelay $0x2  }
0x30: {  	v3 =	vmul.u32 $0x14, v3;
	_ =	sdelay $0x1  }
0x31: {  	v3 =	vadd.s32 v3, v4  }
0x32: {  	v3 =	vadd.s32 $0xC8, v3  }
0x33: {  	[tilespmem:$0x880] =	vst v3  }
0x34: {  	v3 =	vld [tilespmem:s28+$0x10];
	_ =	sdelay $0x1  }
0x35: {  	v4 =	vld [tilespmem:s28+$0x210];
	_ =	sdelay $0x2  }
0x36: {  	v3 =	vmul.u32 $0xD, v3;
	_ =	sdelay $0x1  }
0x37: {  	v3 =	vadd.s32 v4, v3  }
0x38: {  	[tilespmem:$0x810] =	vst v3  }
0x39: {  	v3 =	vld [tilespmem:s28+$0x410];
	_ =	sdelay $0x1  }
0x3a: {  	v4 =	vld [tilespmem:s28+$0x610];
	_ =	sdelay $0x2  }
0x3b: {  	v3 =	vmul.u32 $0x14, v3;
	_ =	sdelay $0x1  }
0x3c: {  	v3 =	vadd.s32 v3, v4  }
0x3d: {  	v3 =	vadd.s32 $0xC8, v3  }
0x3e: {  	[tilespmem:$0x890] =	vst v3  }
0x3f: {  	v3 =	vld [tilespmem:s28+$0x20];
	_ =	sdelay $0x1  }
0x40: {  	v4 =	vld [tilespmem:s28+$0x220];
	_ =	sdelay $0x2  }
0x41: {  	v3 =	vmul.u32 $0xD, v3;
	_ =	sdelay $0x1  }
0x42: {  	v3 =	vadd.s32 v4, v3  }
0x43: {  	[tilespmem:$0x820] =	vst v3  }
0x44: {  	v3 =	vld [tilespmem:s28+$0x420];
	_ =	sdelay $0x1  }
0x45: {  	v4 =	vld [tilespmem:s28+$0x620];
	_ =	sdelay $0x2  }
0x46: {  	v3 =	vmul.u32 $0x14, v3;
	_ =	sdelay $0x1  }
0x47: {  	v3 =	vadd.s32 v3, v4  }
0x48: {  	v3 =	vadd.s32 $0xC8, v3  }
0x49: {  	[tilespmem:$0x8A0] =	vst v3  }
0x4a: {  	v3 =	vld [tilespmem:s28+$0x30];
	_ =	sdelay $0x1  }
0x4b: {  	v4 =	vld [tilespmem:s28+$0x230];
	_ =	sdelay $0x1  }
0x4c: {  	v5 =	vld [tilespmem:$0x800]  }
0x4d: {  	v3 =	vmul.u32 $0xD, v3;
	_ =	sdelay $0x1  }
0x4e: {  	v3 =	vadd.s32 v4, v3  }
0x4f: {  	[tilespmem:$0x830] =	vst v3  }
0x50: {  	v4 =	vshll.u32 v5, $0x2;
	v3 =	vld [tilespmem:s28+$0x430]  }
0x51: {  	v5 =	vand.u32 $0x7, v5;
	v4 =	vand.u32 $0xFFFFFFE0, v4  }
0x52: {  	v6 =	vld [tilespmem:s28+$0x630];
	v4 =	vor.u32 v5, v4  }
0x53: {  	v5 =	vperm.xlane v4, v0;
	_ =	sdelay $0x1  }
0x54: {  	v5 =	vadd.s32 v1, v5;
	v3 =	vmul.u32 $0x14, v3;
	_ =	sdelay $0x1  }
0x55: {  	v4 =	vperm.xlane v4, v2;
	v3 =	vadd.s32 v3, v6  }
0x56: {  	v3 =	vadd.s32 $0xC8, v3  }
0x57: {  	s29 =	simm.s32 $0x0;
	[tilespmem:$0x8B0] =	vst v3;
	v3 =	vadd.s32 v1, v4  }
0x58: {  	[tilespmem:s16], [sflag:$0x1] =	stream.indirect_vreg.gather [hbm4b:s1+s29], $0x80, v5, vm0, $0xb8;
	[tilespmem:$0x10900] =	vst v63  }
0x59: {  	s0 =	simm.s32 $0x1100  }
0x5a: {  	[tilespmem:s0], [sflag:$0x1] =	stream.indirect_vreg.gather [hbm4b:s10+s29], $0x80, v5, vm0, $0xb8;
	[tilespmem:$0x10900] =	vst v63  }
0x5b: {  	s2 =	simm.s32 $0x1900  }
0x5c: {  	[tilespmem:s2], [sflag:$0x1] =	stream.indirect_vreg.gather [hbm4b:s1+s29], $0x80, v3, vm0, $0xb8;
	[tilespmem:$0x10900] =	vst v63  }
0x5d: {  	s2 =	simm.s32 $0x2100  }
0x5e: {  	[tilespmem:s2], [sflag:$0x1] =	stream.indirect_vreg.gather [hbm4b:s10+s29], $0x80, v3, vm0, $0xb8;
	[tilespmem:$0x10900] =	vst v63  }
0x5f: {  	v3 =	vld [tilespmem:$0x810];
	_ =	sdelay $0x4  }
0x60: {  	v4 =	vshll.u32 v3, $0x2  }
0x61: {  	v3 =	vand.u32 $0x7, v3;
	v4 =	vand.u32 $0xFFFFFFE0, v4  }
0x62: {  	v3 =	vor.u32 v3, v4  }
0x63: {  	v4 =	vperm.xlane v3, v0;
	_ =	sdelay $0x1  }
0x64: {  	v4 =	vadd.s32 v1, v4;
	_ =	sdelay $0x1  }
0x65: {  	v3 =	vperm.xlane v3, v2;
	_ =	sdelay $0x1  }
0x66: {  	s2 =	simm.s32 $0x2900;
	v3 =	vadd.s32 v1, v3  }
0x67: {  	[tilespmem:s2], [sflag:$0x1] =	stream.indirect_vreg.gather [hbm4b:s1+s29], $0x80, v4, vm0, $0xb8;
	[tilespmem:$0x10900] =	vst v63  }
0x68: {  	s2 =	simm.s32 $0x3100  }
0x69: {  	[tilespmem:s2], [sflag:$0x1] =	stream.indirect_vreg.gather [hbm4b:s10+s29], $0x80, v4, vm0, $0xb8;
	[tilespmem:$0x10900] =	vst v63  }
0x6a: {  	s2 =	simm.s32 $0x3900  }
0x6b: {  	[tilespmem:s2], [sflag:$0x1] =	stream.indirect_vreg.gather [hbm4b:s1+s29], $0x80, v3, vm0, $0xb8;
	[tilespmem:$0x10900] =	vst v63  }
0x6c: {  	s2 =	simm.s32 $0x4100  }
0x6d: {  	[tilespmem:s2], [sflag:$0x1] =	stream.indirect_vreg.gather [hbm4b:s10+s29], $0x80, v3, vm0, $0xb8;
	[tilespmem:$0x10900] =	vst v63  }
0x6e: {  	v3 =	vld [tilespmem:$0x820];
	_ =	sdelay $0x4  }
0x6f: {  	v4 =	vshll.u32 v3, $0x2  }
0x70: {  	v3 =	vand.u32 $0x7, v3;
	v4 =	vand.u32 $0xFFFFFFE0, v4  }
0x71: {  	v3 =	vor.u32 v3, v4  }
0x72: {  	v4 =	vperm.xlane v3, v0;
	_ =	sdelay $0x1  }
0x73: {  	v4 =	vadd.s32 v1, v4;
	_ =	sdelay $0x1  }
0x74: {  	v3 =	vperm.xlane v3, v2;
	_ =	sdelay $0x1  }
0x75: {  	s2 =	simm.s32 $0x4900;
	v3 =	vadd.s32 v1, v3  }
0x76: {  	[tilespmem:s2], [sflag:$0x1] =	stream.indirect_vreg.gather [hbm4b:s1+s29], $0x80, v4, vm0, $0xb8;
	[tilespmem:$0x10900] =	vst v63  }
0x77: {  	s2 =	simm.s32 $0x5100  }
0x78: {  	[tilespmem:s2], [sflag:$0x1] =	stream.indirect_vreg.gather [hbm4b:s10+s29], $0x80, v4, vm0, $0xb8;
	[tilespmem:$0x10900] =	vst v63  }
0x79: {  	s2 =	simm.s32 $0x5900  }
0x7a: {  	[tilespmem:s2], [sflag:$0x1] =	stream.indirect_vreg.gather [hbm4b:s1+s29], $0x80, v3, vm0, $0xb8;
	[tilespmem:$0x10900] =	vst v63  }
0x7b: {  	s2 =	simm.s32 $0x6100  }
0x7c: {  	[tilespmem:s2], [sflag:$0x1] =	stream.indirect_vreg.gather [hbm4b:s10+s29], $0x80, v3, vm0, $0xb8;
	[tilespmem:$0x10900] =	vst v63  }
0x7d: {  	v3 =	vld [tilespmem:$0x830];
	_ =	sdelay $0x4  }
0x7e: {  	v4 =	vshll.u32 v3, $0x2  }
0x7f: {  	v3 =	vand.u32 $0x7, v3;
	v4 =	vand.u32 $0xFFFFFFE0, v4  }
0x80: {  	v3 =	vor.u32 v3, v4  }
0x81: {  	v4 =	vperm.xlane v3, v0;
	_ =	sdelay $0x1  }
0x82: {  	v4 =	vadd.s32 v1, v4;
	_ =	sdelay $0x1  }
0x83: {  	v3 =	vperm.xlane v3, v2;
	_ =	sdelay $0x1  }
0x84: {  	s2 =	simm.s32 $0x6900;
	v3 =	vadd.s32 v1, v3  }
0x85: {  	[tilespmem:s2], [sflag:$0x1] =	stream.indirect_vreg.gather [hbm4b:s1+s29], $0x80, v4, vm0, $0xb8;
	[tilespmem:$0x10900] =	vst v63  }
0x86: {  	s2 =	simm.s32 $0x7100  }
0x87: {  	[tilespmem:s2], [sflag:$0x1] =	stream.indirect_vreg.gather [hbm4b:s10+s29], $0x80, v4, vm0, $0xb8;
	[tilespmem:$0x10900] =	vst v63  }
0x88: {  	s2 =	simm.s32 $0x7900  }
0x89: {  	[tilespmem:s2], [sflag:$0x1] =	stream.indirect_vreg.gather [hbm4b:s1+s29], $0x80, v3, vm0, $0xb8;
	[tilespmem:$0x10900] =	vst v63  }
0x8a: {  	s2 =	simm.s32 $0x8100  }
0x8b: {  	[tilespmem:s2], [sflag:$0x1] =	stream.indirect_vreg.gather [hbm4b:s10+s29], $0x80, v3, vm0, $0xb8;
	[tilespmem:$0x10900] =	vst v63  }
0x8c: {  	v3 =	vld [tilespmem:$0x880];
	_ =	sdelay $0x4  }
0x8d: {  	v4 =	vshll.u32 v3, $0x2  }
0x8e: {  	v3 =	vand.u32 $0x7, v3;
	v4 =	vand.u32 $0xFFFFFFE0, v4  }
0x8f: {  	v3 =	vor.u32 v3, v4  }
0x90: {  	v4 =	vperm.xlane v3, v0;
	_ =	sdelay $0x1  }
0x91: {  	v4 =	vadd.s32 v1, v4;
	_ =	sdelay $0x1  }
0x92: {  	v3 =	vperm.xlane v3, v2;
	_ =	sdelay $0x1  }
0x93: {  	s2 =	simm.s32 $0x8900;
	v3 =	vadd.s32 v1, v3  }
0x94: {  	[tilespmem:s2], [sflag:$0x2] =	stream.indirect_vreg.gather [hbm4b:s1+s29], $0x80, v4, vm0, $0xb8;
	[tilespmem:$0x10900] =	vst v63  }
0x95: {  	_ = 	snop  }
0x96: {  	[tilespmem:s13], [sflag:$0x2] =	stream.indirect_vreg.gather [hbm4b:s10+s29], $0x80, v4, vm0, $0xb8;
	[tilespmem:$0x10900] =	vst v63  }
0x97: {  	_ = 	snop  }
0x98: {  	[tilespmem:s14], [sflag:$0x2] =	stream.indirect_vreg.gather [hbm4b:s1+s29], $0x80, v3, vm0, $0xb8;
	[tilespmem:$0x10900] =	vst v63  }
0x99: {  	_ = 	snop  }
0x9a: {  	[tilespmem:s15], [sflag:$0x2] =	stream.indirect_vreg.gather [hbm4b:s10+s29], $0x80, v3, vm0, $0xb8;
	[tilespmem:$0x10900] =	vst v63  }
0x9b: {  	v3 =	vld [tilespmem:$0x890];
	_ =	sdelay $0x4  }
0x9c: {  	v4 =	vshll.u32 v3, $0x2  }
0x9d: {  	v3 =	vand.u32 $0x7, v3;
	v4 =	vand.u32 $0xFFFFFFE0, v4  }
0x9e: {  	v3 =	vor.u32 v3, v4  }
0x9f: {  	v4 =	vperm.xlane v3, v0;
	_ =	sdelay $0x1  }
0xa0: {  	v4 =	vadd.s32 v1, v4;
	_ =	sdelay $0x1  }
0xa1: {  	v3 =	vperm.xlane v3, v2;
	_ =	sdelay $0x1  }
0xa2: {  	v3 =	vadd.s32 v1, v3  }
0xa3: {  	[tilespmem:s6], [sflag:$0x2] =	stream.indirect_vreg.gather [hbm4b:s1+s29], $0x80, v4, vm0, $0xb8;
	[tilespmem:$0x10900] =	vst v63  }
0xa4: {  	_ = 	snop  }
0xa5: {  	[tilespmem:s7], [sflag:$0x2] =	stream.indirect_vreg.gather [hbm4b:s10+s29], $0x80, v4, vm0, $0xb8;
	[tilespmem:$0x10900] =	vst v63  }
0xa6: {  	_ = 	snop  }
0xa7: {  	[tilespmem:s8], [sflag:$0x2] =	stream.indirect_vreg.gather [hbm4b:s1+s29], $0x80, v3, vm0, $0xb8;
	[tilespmem:$0x10900] =	vst v63  }
0xa8: {  	_ = 	snop  }
0xa9: {  	[tilespmem:s9], [sflag:$0x2] =	stream.indirect_vreg.gather [hbm4b:s10+s29], $0x80, v3, vm0, $0xb8;
	[tilespmem:$0x10900] =	vst v63  }
0xaa: {  	v3 =	vld [tilespmem:$0x8A0];
	_ =	sdelay $0x4  }
0xab: {  	v4 =	vshll.u32 v3, $0x2  }
0xac: {  	v3 =	vand.u32 $0x7, v3;
	v4 =	vand.u32 $0xFFFFFFE0, v4  }
0xad: {  	v3 =	vor.u32 v3, v4  }
0xae: {  	v4 =	vperm.xlane v3, v0;
	_ =	sdelay $0x1  }
0xaf: {  	v4 =	vadd.s32 v1, v4;
	_ =	sdelay $0x1  }
0xb0: {  	v3 =	vperm.xlane v3, v2;
	_ =	sdelay $0x1  }
0xb1: {  	v3 =	vadd.s32 v1, v3  }
0xb2: {  	[tilespmem:s11], [sflag:$0x2] =	stream.indirect_vreg.gather [hbm4b:s1+s29], $0x80, v4, vm0, $0xb8;
	[tilespmem:$0x10900] =	vst v63  }
0xb3: {  	_ = 	snop  }
0xb4: {  	[tilespmem:s17], [sflag:$0x2] =	stream.indirect_vreg.gather [hbm4b:s10+s29], $0x80, v4, vm0, $0xb8;
	[tilespmem:$0x10900] =	vst v63  }
0xb5: {  	_ = 	snop  }
0xb6: {  	[tilespmem:s18], [sflag:$0x2] =	stream.indirect_vreg.gather [hbm4b:s1+s29], $0x80, v3, vm0, $0xb8;
	[tilespmem:$0x10900] =	vst v63  }
0xb7: {  	_ = 	snop  }
0xb8: {  	[tilespmem:s19], [sflag:$0x2] =	stream.indirect_vreg.gather [hbm4b:s10+s29], $0x80, v3, vm0, $0xb8;
	[tilespmem:$0x10900] =	vst v63  }
0xb9: {  	v3 =	vld [tilespmem:$0x8B0];
	_ =	sdelay $0x4  }
0xba: {  	v4 =	vshll.u32 v3, $0x2  }
0xbb: {  	v3 =	vand.u32 $0x7, v3;
	v4 =	vand.u32 $0xFFFFFFE0, v4  }
0xbc: {  	v3 =	vor.u32 v3, v4  }
0xbd: {  	v4 =	vperm.xlane v3, v0;
	_ =	sdelay $0x1  }
0xbe: {  	v4 =	vadd.s32 v1, v4;
	_ =	sdelay $0x1  }
0xbf: {  	v3 =	vperm.xlane v3, v2;
	_ =	sdelay $0x1  }
0xc0: {  	v3 =	vadd.s32 v1, v3  }
0xc1: {  	[tilespmem:s20], [sflag:$0x2] =	stream.indirect_vreg.gather [hbm4b:s1+s29], $0x80, v4, vm0, $0xb8;
	[tilespmem:$0x10900] =	vst v63  }
0xc2: {  	_ = 	snop  }
0xc3: {  	[tilespmem:s21], [sflag:$0x2] =	stream.indirect_vreg.gather [hbm4b:s10+s29], $0x80, v4, vm0, $0xb8;
	[tilespmem:$0x10900] =	vst v63  }
0xc4: {  	_ = 	snop  }
0xc5: {  	[tilespmem:s22], [sflag:$0x2] =	stream.indirect_vreg.gather [hbm4b:s1+s29], $0x80, v3, vm0, $0xb8;
	[tilespmem:$0x10900] =	vst v63  }
0xc6: {  	_ = 	snop  }
0xc7: {  	[tilespmem:s23], [sflag:$0x2] =	stream.indirect_vreg.gather [hbm4b:s10+s29], $0x80, v3, vm0, $0xb8;
	[tilespmem:$0x10900] =	vst v63  }
0xc8: {  	_ =	swait.ge [sflag:s24], $0x8000  }
0xc9: {  	[sflag:s24] =	ssyncset.done $0x0  }
0xca: {  	[sflag:s24] =	ssyncadd.s32 $0xFFFF8000  }
0xcb: {  	_ =	swait.ge [sflag:s25], $0x8000  }
0xcc: {  	s0 =	sand.u32 $0x7000, s29;
	s2 =	sand.u32 $0x380, s29;
	[sflag:s25] =	ssyncset.done $0x0  }
0xcd: {  	s29 =	sor.u32 s2, s0;
	[sflag:s25] =	ssyncadd.s32 $0xFFFF8000  }
0xce: {  	v3 =	vld [tilespmem:s29+$0x9570]  }
0xcf: {  	v4 =	vld [tilespmem:s29+$0x8900]  }
0xd0: {  	v5 =	vld [tilespmem:s29+$0x8910]  }
0xd1: {  	v63 =	vld [tilespmem:s29+$0x8920]  }
0xd2: {  	v7 =	vld [tilespmem:s29+$0x8930]  }
0xd3: {  	v8 =	vld [tilespmem:s29+$0x8940]  }
0xd4: {  	v9 =	vld [tilespmem:s29+$0x8950]  }
0xd5: {  	v10 =	vld [tilespmem:s29+$0x8960]  }
0xd6: {  	v11 =	vld [tilespmem:s29+$0x8970]  }
0xd7: {  	v12 =	vld [tilespmem:s29+$0x8D00]  }
0xd8: {  	v13 =	vld [tilespmem:s29+$0x8D10]  }
0xd9: {  	v14 =	vld [tilespmem:s29+$0x8D20]  }
0xda: {  	v15 =	vld [tilespmem:s29+$0x8D30]  }
0xdb: {  	v16 =	vld [tilespmem:s29+$0x8D40]  }
0xdc: {  	v17 =	vld [tilespmem:s29+$0x8D50]  }
0xdd: {  	v18 =	vld [tilespmem:s29+$0x8D60]  }
0xde: {  	v19 =	vld [tilespmem:s29+$0x8D70]  }
0xdf: {  	v20 =	vld [tilespmem:s29+$0x9100]  }
0xe0: {  	v21 =	vld [tilespmem:s29+$0x9110]  }
0xe1: {  	v22 =	vld [tilespmem:s29+$0x9120]  }
0xe2: {  	v23 =	vld [tilespmem:s29+$0x9130]  }
0xe3: {  	v24 =	vld [tilespmem:s29+$0x9140]  }
0xe4: {  	v25 =	vld [tilespmem:s29+$0x9150]  }
0xe5: {  	v26 =	vld [tilespmem:s29+$0x9160]  }
0xe6: {  	v27 =	vld [tilespmem:s29+$0x9170]  }
0xe7: {  	v28 =	vld [tilespmem:s29+$0x9500]  }
0xe8: {  	v29 =	vld [tilespmem:s29+$0x9510]  }
0xe9: {  	v30 =	vld [tilespmem:s29+$0x9520]  }
0xea: {  	v31 =	vld [tilespmem:s29+$0x9530]  }
0xeb: {  	v32 =	vld [tilespmem:s29+$0x9540]  }
0xec: {  	v33 =	vld [tilespmem:s29+$0x9550]  }
0xed: {  	[tilespmem:s29+$0x1570] =	vst.add.f32.msk $0xffff, v3  }
0xee: {  	v3 =	vld [tilespmem:s29+$0x9560]  }
0xef: {  	[tilespmem:s29+$0x900] =	vst.add.f32.msk $0xffff, v4  }
0xf0: {  	[tilespmem:s29+$0x910] =	vst.add.f32.msk $0xffff, v5  }
0xf1: {  	[tilespmem:s29+$0x920] =	vst.add.f32.msk $0xffff, v63  }
0xf2: {  	[tilespmem:s29+$0x930] =	vst.add.f32.msk $0xffff, v7  }
0xf3: {  	[tilespmem:s29+$0x940] =	vst.add.f32.msk $0xffff, v8  }
0xf4: {  	[tilespmem:s29+$0x950] =	vst.add.f32.msk $0xffff, v9  }
0xf5: {  	[tilespmem:s29+$0x960] =	vst.add.f32.msk $0xffff, v10  }
0xf6: {  	[tilespmem:s29+$0x970] =	vst.add.f32.msk $0xffff, v11  }
0xf7: {  	[tilespmem:s29+$0xD00] =	vst.add.f32.msk $0xffff, v12  }
0xf8: {  	[tilespmem:s29+$0xD10] =	vst.add.f32.msk $0xffff, v13  }
0xf9: {  	[tilespmem:s29+$0xD20] =	vst.add.f32.msk $0xffff, v14  }
0xfa: {  	[tilespmem:s29+$0xD30] =	vst.add.f32.msk $0xffff, v15  }
0xfb: {  	[tilespmem:s29+$0xD40] =	vst.add.f32.msk $0xffff, v16  }
0xfc: {  	[tilespmem:s29+$0xD50] =	vst.add.f32.msk $0xffff, v17  }
0xfd: {  	[tilespmem:s29+$0xD60] =	vst.add.f32.msk $0xffff, v18  }
0xfe: {  	[tilespmem:s29+$0xD70] =	vst.add.f32.msk $0xffff, v19  }
0xff: {  	[tilespmem:s29+$0x1100] =	vst.add.f32.msk $0xffff, v20  }
0x100: {  	[tilespmem:s29+$0x1110] =	vst.add.f32.msk $0xffff, v21  }
0x101: {  	[tilespmem:s29+$0x1120] =	vst.add.f32.msk $0xffff, v22  }
0x102: {  	[tilespmem:s29+$0x1130] =	vst.add.f32.msk $0xffff, v23  }
0x103: {  	[tilespmem:s29+$0x1140] =	vst.add.f32.msk $0xffff, v24  }
0x104: {  	[tilespmem:s29+$0x1150] =	vst.add.f32.msk $0xffff, v25  }
0x105: {  	[tilespmem:s29+$0x1160] =	vst.add.f32.msk $0xffff, v26  }
0x106: {  	[tilespmem:s29+$0x1170] =	vst.add.f32.msk $0xffff, v27  }
0x107: {  	[tilespmem:s29+$0x1500] =	vst.add.f32.msk $0xffff, v28  }
0x108: {  	[tilespmem:s29+$0x1510] =	vst.add.f32.msk $0xffff, v29  }
0x109: {  	[tilespmem:s29+$0x1520] =	vst.add.f32.msk $0xffff, v30  }
0x10a: {  	[tilespmem:s29+$0x1530] =	vst.add.f32.msk $0xffff, v31  }
0x10b: {  	s30 =	simm.s32 $0x80;
	s2 =	simm.s32 $0x200;
	[tilespmem:s29+$0x1540] =	vst.add.f32.msk $0xffff, v32  }
0x10c: {  	s31 =	simm.s32 $0x400;
	s0 =	sand.u32 $0x7000, s2;
	s2 =	sand.u32 $0x380, s30;
	[tilespmem:s29+$0x1550] =	vst.add.f32.msk $0xffff, v33  }
.LBB2_3:
0x10d: {  	p0 =	sne.s32 s31, $0x7E00;
	[tilespmem:s29+$0x1560] =	vst.add.f32.msk $0xffff, v3;
	s29 =	sor.u32 s2, s0  }
0x10e: {  	v3 =	vld [tilespmem:s29+$0x9570]  }
0x10f: {  	v4 =	vld [tilespmem:s29+$0x8900]  }
0x110: {  	v5 =	vld [tilespmem:s29+$0x8910]  }
0x111: {  	v6 =	vld [tilespmem:s29+$0x8920]  }
0x112: {  	v7 =	vld [tilespmem:s29+$0x8930]  }
0x113: {  	[tilespmem:s29+$0x1570] =	vst.add.f32.msk $0xffff, v3  }
0x114: {  	v8 =	vld [tilespmem:s29+$0x8940]  }
0x115: {  	v9 =	vld [tilespmem:s29+$0x8950]  }
0x116: {  	v10 =	vld [tilespmem:s29+$0x8960]  }
0x117: {  	v11 =	vld [tilespmem:s29+$0x8970]  }
0x118: {  	v12 =	vld [tilespmem:s29+$0x8D00]  }
0x119: {  	v13 =	vld [tilespmem:s29+$0x8D10]  }
0x11a: {  	v14 =	vld [tilespmem:s29+$0x8D20]  }
0x11b: {  	v15 =	vld [tilespmem:s29+$0x8D30]  }
0x11c: {  	v16 =	vld [tilespmem:s29+$0x8D40]  }
0x11d: {  	v17 =	vld [tilespmem:s29+$0x8D50]  }
0x11e: {  	v18 =	vld [tilespmem:s29+$0x8D60]  }
0x11f: {  	v19 =	vld [tilespmem:s29+$0x8D70]  }
0x120: {  	v20 =	vld [tilespmem:s29+$0x9100]  }
0x121: {  	v21 =	vld [tilespmem:s29+$0x9110]  }
0x122: {  	v22 =	vld [tilespmem:s29+$0x9120]  }
0x123: {  	v23 =	vld [tilespmem:s29+$0x9130]  }
0x124: {  	v24 =	vld [tilespmem:s29+$0x9140]  }
0x125: {  	v25 =	vld [tilespmem:s29+$0x9150]  }
0x126: {  	v26 =	vld [tilespmem:s29+$0x9160]  }
0x127: {  	v27 =	vld [tilespmem:s29+$0x9170]  }
0x128: {  	v28 =	vld [tilespmem:s29+$0x9500]  }
0x129: {  	v29 =	vld [tilespmem:s29+$0x9510]  }
0x12a: {  	v30 =	vld [tilespmem:s29+$0x9520]  }
0x12b: {  	v31 =	vld [tilespmem:s29+$0x9530]  }
0x12c: {  	v32 =	vld [tilespmem:s29+$0x9540]  }
0x12d: {  	v33 =	vld [tilespmem:s29+$0x9550]  }
0x12e: {  	v3 =	vld [tilespmem:s29+$0x9560]  }
0x12f: {  	[tilespmem:s29+$0x900] =	vst.add.f32.msk $0xffff, v4  }
0x130: {  	[tilespmem:s29+$0x910] =	vst.add.f32.msk $0xffff, v5  }
0x131: {  	[tilespmem:s29+$0x920] =	vst.add.f32.msk $0xffff, v6  }
0x132: {  	[tilespmem:s29+$0x930] =	vst.add.f32.msk $0xffff, v7  }
0x133: {  	[tilespmem:s29+$0x940] =	vst.add.f32.msk $0xffff, v8  }
0x134: {  	[tilespmem:s29+$0x950] =	vst.add.f32.msk $0xffff, v9  }
0x135: {  	[tilespmem:s29+$0x960] =	vst.add.f32.msk $0xffff, v10  }
0x136: {  	[tilespmem:s29+$0x970] =	vst.add.f32.msk $0xffff, v11  }
0x137: {  	[tilespmem:s29+$0xD00] =	vst.add.f32.msk $0xffff, v12  }
0x138: {  	[tilespmem:s29+$0xD10] =	vst.add.f32.msk $0xffff, v13  }
0x139: {  	[tilespmem:s29+$0xD20] =	vst.add.f32.msk $0xffff, v14  }
0x13a: {  	[tilespmem:s29+$0xD30] =	vst.add.f32.msk $0xffff, v15  }
0x13b: {  	[tilespmem:s29+$0xD40] =	vst.add.f32.msk $0xffff, v16  }
0x13c: {  	[tilespmem:s29+$0xD50] =	vst.add.f32.msk $0xffff, v17  }
0x13d: {  	[tilespmem:s29+$0xD60] =	vst.add.f32.msk $0xffff, v18  }
0x13e: {  	[tilespmem:s29+$0xD70] =	vst.add.f32.msk $0xffff, v19  }
0x13f: {  	[tilespmem:s29+$0x1100] =	vst.add.f32.msk $0xffff, v20  }
0x140: {  	[tilespmem:s29+$0x1110] =	vst.add.f32.msk $0xffff, v21  }
0x141: {  	[tilespmem:s29+$0x1120] =	vst.add.f32.msk $0xffff, v22  }
0x142: {  	[tilespmem:s29+$0x1130] =	vst.add.f32.msk $0xffff, v23  }
0x143: {  	[tilespmem:s29+$0x1140] =	vst.add.f32.msk $0xffff, v24  }
0x144: {  	[tilespmem:s29+$0x1150] =	vst.add.f32.msk $0xffff, v25  }
0x145: {  	[tilespmem:s29+$0x1160] =	vst.add.f32.msk $0xffff, v26  }
0x146: {  	[tilespmem:s29+$0x1170] =	vst.add.f32.msk $0xffff, v27  }
0x147: {  	[tilespmem:s29+$0x1500] =	vst.add.f32.msk $0xffff, v28  }
.Ltmp0:
0x148: {  	[tilespmem:s29+$0x1510] =	vst.add.f32.msk $0xffff, v29;
	(pc) =	sbr.rel @p0 .LBB2_3-.Ltmp0, $4  }
0x149: {  	[tilespmem:s29+$0x1520] =	vst.add.f32.msk $0xffff, v30  }
0x14a: {  	[tilespmem:s29+$0x1530] =	vst.add.f32.msk $0xffff, v31  }
0x14b: {  	s30 =	sadd.s32 $0x80, s30;
	[tilespmem:s29+$0x1540] =	vst.add.f32.msk $0xffff, v32  }
0x14c: {  	s0 =	sand.u32 $0x7000, s31;
	s31 =	sadd.s32 $0x200, s31;
	s2 =	sand.u32 $0x380, s30;
	[tilespmem:s29+$0x1550] =	vst.add.f32.msk $0xffff, v33  }
0x14d: {  	s30 =	sor.u32 s2, s0;
	[tilespmem:s29+$0x1560] =	vst.add.f32.msk $0xffff, v3  }
0x14e: {  	v3 =	vld [tilespmem:s30+$0x9570]  }
0x14f: {  	v4 =	vld [tilespmem:s30+$0x8900]  }
0x150: {  	v5 =	vld [tilespmem:s30+$0x8910]  }
0x151: {  	v6 =	vld [tilespmem:s30+$0x8920]  }
0x152: {  	v7 =	vld [tilespmem:s30+$0x8930]  }
0x153: {  	v8 =	vld [tilespmem:s30+$0x8950]  }
0x154: {  	v9 =	vld [tilespmem:s30+$0x8960]  }
0x155: {  	v10 =	vld [tilespmem:s30+$0x8970]  }
0x156: {  	v11 =	vld [tilespmem:s30+$0x8D00]  }
0x157: {  	v12 =	vld [tilespmem:s30+$0x8D10]  }
0x158: {  	v13 =	vld [tilespmem:s30+$0x8D20]  }
0x159: {  	v14 =	vld [tilespmem:s30+$0x8D30]  }
0x15a: {  	v15 =	vld [tilespmem:s30+$0x8D40]  }
0x15b: {  	v16 =	vld [tilespmem:s30+$0x8D50]  }
0x15c: {  	v17 =	vld [tilespmem:s30+$0x8D60]  }
0x15d: {  	v18 =	vld [tilespmem:s30+$0x8D70]  }
0x15e: {  	v19 =	vld [tilespmem:s30+$0x9100]  }
0x15f: {  	v20 =	vld [tilespmem:s30+$0x9110]  }
0x160: {  	v21 =	vld [tilespmem:s30+$0x9120]  }
0x161: {  	v22 =	vld [tilespmem:s30+$0x9130]  }
0x162: {  	v23 =	vld [tilespmem:s30+$0x9140]  }
0x163: {  	v24 =	vld [tilespmem:s30+$0x9150]  }
0x164: {  	v25 =	vld [tilespmem:s30+$0x9160]  }
0x165: {  	v26 =	vld [tilespmem:s30+$0x9170]  }
0x166: {  	v27 =	vld [tilespmem:s30+$0x9500]  }
0x167: {  	v28 =	vld [tilespmem:s30+$0x9510]  }
0x168: {  	v29 =	vld [tilespmem:s30+$0x9520]  }
0x169: {  	v30 =	vld [tilespmem:s30+$0x9530]  }
0x16a: {  	v31 =	vld [tilespmem:s30+$0x9540]  }
0x16b: {  	v32 =	vld [tilespmem:s30+$0x9550]  }
0x16c: {  	v33 =	vld [tilespmem:s30+$0x9560]  }
0x16d: {  	[tilespmem:s30+$0x1570] =	vst.add.f32.msk $0xffff, v3  }
0x16e: {  	v3 =	vld [tilespmem:s30+$0x8940]  }
0x16f: {  	[tilespmem:s30+$0x900] =	vst.add.f32.msk $0xffff, v4  }
0x170: {  	[tilespmem:s30+$0x910] =	vst.add.f32.msk $0xffff, v5  }
0x171: {  	[tilespmem:s30+$0x920] =	vst.add.f32.msk $0xffff, v6  }
0x172: {  	[tilespmem:s30+$0x930] =	vst.add.f32.msk $0xffff, v7  }
0x173: {  	[tilespmem:s30+$0x950] =	vst.add.f32.msk $0xffff, v8  }
0x174: {  	[tilespmem:s30+$0x960] =	vst.add.f32.msk $0xffff, v9  }
0x175: {  	[tilespmem:s30+$0x970] =	vst.add.f32.msk $0xffff, v10  }
0x176: {  	[tilespmem:s30+$0xD00] =	vst.add.f32.msk $0xffff, v11  }
0x177: {  	[tilespmem:s30+$0xD10] =	vst.add.f32.msk $0xffff, v12  }
0x178: {  	[tilespmem:s30+$0xD20] =	vst.add.f32.msk $0xffff, v13  }
0x179: {  	[tilespmem:s30+$0xD30] =	vst.add.f32.msk $0xffff, v14  }
0x17a: {  	[tilespmem:s30+$0xD40] =	vst.add.f32.msk $0xffff, v15  }
0x17b: {  	[tilespmem:s30+$0xD50] =	vst.add.f32.msk $0xffff, v16  }
0x17c: {  	[tilespmem:s30+$0xD60] =	vst.add.f32.msk $0xffff, v17  }
0x17d: {  	[tilespmem:s30+$0xD70] =	vst.add.f32.msk $0xffff, v18  }
0x17e: {  	[tilespmem:s30+$0x1100] =	vst.add.f32.msk $0xffff, v19  }
0x17f: {  	[tilespmem:s30+$0x1110] =	vst.add.f32.msk $0xffff, v20  }
0x180: {  	[tilespmem:s30+$0x1120] =	vst.add.f32.msk $0xffff, v21  }
0x181: {  	[tilespmem:s30+$0x1130] =	vst.add.f32.msk $0xffff, v22  }
0x182: {  	[tilespmem:s30+$0x1140] =	vst.add.f32.msk $0xffff, v23  }
0x183: {  	[tilespmem:s30+$0x1150] =	vst.add.f32.msk $0xffff, v24  }
0x184: {  	[tilespmem:s30+$0x1160] =	vst.add.f32.msk $0xffff, v25  }
0x185: {  	[tilespmem:s30+$0x1170] =	vst.add.f32.msk $0xffff, v26  }
0x186: {  	[tilespmem:s30+$0x1500] =	vst.add.f32.msk $0xffff, v27  }
0x187: {  	[tilespmem:s30+$0x1510] =	vst.add.f32.msk $0xffff, v28  }
0x188: {  	[tilespmem:s30+$0x1520] =	vst.add.f32.msk $0xffff, v29  }
0x189: {  	[tilespmem:s30+$0x1530] =	vst.add.f32.msk $0xffff, v30  }
0x18a: {  	[tilespmem:s30+$0x1540] =	vst.add.f32.msk $0xffff, v31  }
0x18b: {  	s31 =	sadd.s32 s4, s28;
	s26 =	sadd.s32 $0x1, s26;
	[tilespmem:s30+$0x1550] =	vst.add.f32.msk $0xffff, v32  }
0x18c: {  	s0 =	sshll.u32 s31, $0x6;
	p0 =	sne.s32 s26, $0x8;
	[tilespmem:s30+$0x1560] =	vst.add.f32.msk $0xffff, v33  }
.Ltmp1:
0x18d: {  	s0 =	sadd.s32 s5, s0;
	[tilespmem:s30+$0x940] =	vst.add.f32.msk $0xffff, v3;
	(pc) =	sbr.rel @p0 .LBB2_2-.Ltmp1, $4  }
0x18e: {  	[hbm4b:s0+s3] =	stream.linear.scatter [tilespmem:s16], [sflag:$0x3], $0x8000, $0x38;
	[tilespmem:$0x10900] =	vst v63  }
0x18f: {  	_ =	swait.ge [sflag:s12], $0x8000  }
0x190: {  	[sflag:s12] =	ssyncset.done $0x0  }
0x191: {  	[sflag:s12] =	ssyncadd.s32 $0xFFFF8000  }
0x192: {  	s2 =	rddreg [dreg:$0xc]  }
0x193: {  	s0 =	rddreg [dreg:$0xb];
	s2 =	sadd.s32 $0x1, s2  }
0x194: {  	p0 =	sne.s32 s2, s0  }
.Ltmp2:
0x195: {  	_ = 	snop;
	(pc) =	sbr.rel @p0 .LBB2_1-.Ltmp2, $1  }
0x196: {  	_ =	sdelay $0x3  }
0x197: {  	_ =	sfence.sel $0x180000  }
0x198: {  	[bflag:$0x0] =	sbarrier.arrive $0xFFFF  }
0x199: {  	_ =	strace $0x90000047  }
0x19a: {  	s0 =	stileid.u32;
	[bflag:$0x2] =	sbarrier.arrive $0xFFFF  }
0x19b: {  	p0 =	sne.s32 s0, $0x0;
	s0 =	rddreg [dreg:$0x6]  }
0x19c: {  	s0 =	sadd.s32 @!p0 $0x100000, s0  }
0x19d: {  	[sflag:s0] =	ssyncadd.tile.s32 @!p0 $0x1;
	_ =	shalt  }
.Lfunc_end2:
_tile_overlayer_lowered:
.L_overlay_start_2:
0x19e: {  	(tag) =	ssettag $0x2  }
0x19f: {  	s0 =	rddreg [dreg:$0x0];
	s2 =	stileid.u32  }
0x1a0: {  	s1 =	rddreg [dreg:$0x1];
	p0 =	sne.s32 s2, $0x0  }
0x1a1: {  	s3 =	rddreg [dreg:$0x2];
	[bflag:$0x3] =	sbarrier.arrive $0xFFFF;
	s2 =	simm.s32 @!p0 $0x1C03  }
0x1a2: {  	[timem:s3], [sflag:s2] =	dma.local @!p0 [hbm:s0], s1  }
0x1a3: {  	s0 =	simm.s32 @!p0 $0x3  }
0x1a4: {  	_ =	swait.ge @!p0 [sflag:s0], s1  }
0x1a5: {  	s1 =	ssub.s32 @!p0 $0x0, s1;
	[sflag:s0] =	ssyncset.done @!p0 $0x0  }
0x1a6: {  	[sflag:s0] =	ssyncadd.s32 @!p0 s1  }
0x1a7: {  	[bflag:$0x3] =	sbarrier.arrive $0xFFFF  }
0x1a8: {  	_ =	shalt  }

</sc_bundles>
